<compile_context>
chip_gen: v7x
topology: tpu7x:2x2x1
jax: 0.10.2.dev20260603
libtpu: 0.0.44.dev20260713+nightly
codegen_flags: <defaults>
</compile_context>

<pallas_src>
import jax
import jax.numpy as jnp
from jax import lax
from jax.experimental import pallas as pl
from jax.experimental.pallas import tpu as pltpu
from jax.experimental.pallas import tpu_sc as plsc

N = 10000
E = 320000
HID = 128
NC, NS = 2, 16
NW = NC * NS
BE = 128
NB = 80
PER = NB * BE
EPAD = NW * PER
RPT = 640
PADN = NS * RPT
BR = 400
NGRID = N // BR
NTOT = float(N * HID)


def _sc_segsum_body(hid_hbm, srcI, dstI, z2, z1, on, psum, pdeg,
                    src_v, dst_v, rows_v, ones_v, acc, dacc, gsem):
    c = lax.axis_index("c")
    s = lax.axis_index("s")
    wid = s * jnp.int32(NC) + c
    base = s * jnp.int32(RPT)
    pltpu.sync_copy(z2, acc.at[pl.ds(base, RPT)])
    pltpu.sync_copy(z1, dacc.at[pl.ds(base, RPT)])
    pltpu.sync_copy(on, ones_v)
    pltpu.sync_copy(srcI.at[wid], src_v)
    pltpu.sync_copy(dstI.at[wid], dst_v)
    plsc.subcore_barrier()

    @pl.loop(jnp.int32(0), jnp.int32(NB))
    def _(j):
        pltpu.async_copy(hid_hbm.at[src_v.at[j]], rows_v, gsem).wait()
        pltpu.sync_copy(rows_v, acc.at[dst_v.at[j]], add=True)
        pltpu.sync_copy(ones_v, dacc.at[dst_v.at[j]], add=True)

    plsc.subcore_barrier()
    pltpu.sync_copy(acc.at[pl.ds(base, RPT)], psum.at[c].at[pl.ds(base, RPT)])
    pltpu.sync_copy(dacc.at[pl.ds(base, RPT)], pdeg.at[c].at[pl.ds(base, RPT)])


_SC_CACHE = {}


def _sc_segsum(*args):
    if "k" not in _SC_CACHE:
        _SC_CACHE["k"] = _build_sc_segsum()
    return _SC_CACHE["k"](*args)


def _build_sc_segsum():
    return pl.kernel(
        _sc_segsum_body,
        out_type=(
            jax.ShapeDtypeStruct((NC, PADN, HID), jnp.float32),
            jax.ShapeDtypeStruct((NC, PADN), jnp.float32),
        ),
        mesh=plsc.VectorSubcoreMesh(core_axis_name="c", subcore_axis_name="s",
                                    num_cores=NC, num_subcores=NS),
        scratch_types=[
            pltpu.VMEM((NB, BE), jnp.int32),
            pltpu.VMEM((NB, BE), jnp.int32),
            pltpu.VMEM((BE, HID), jnp.float32),
            pltpu.VMEM((BE,), jnp.float32),
            pltpu.VMEM_SHARED((PADN, HID), jnp.float32),
            pltpu.VMEM_SHARED((PADN,), jnp.float32),
            pltpu.SemaphoreType.DMA,
        ],
    )


def _pre_body(x_ref, w_ref, b_ref, o_ref):
    o_ref[...] = jnp.maximum(
        jnp.dot(x_ref[...], w_ref[...], preferred_element_type=jnp.float32)
        + b_ref[...], 0.0)


def _combine_body(psum_ref, pdeg_ref, hid_ref, wl_ref, bl_ref, wr_ref,
                  h2_ref, stats_ref):
    i = pl.program_id(0)
    ssum = psum_ref[0] + psum_ref[1]
    deg = pdeg_ref[0] + pdeg_ref[1]
    agg = ssum * (1.0 / jnp.maximum(deg, 1.0))
    pre = (jnp.dot(agg, wl_ref[...], preferred_element_type=jnp.float32)
           + jnp.dot(hid_ref[...], wr_ref[...],
                     preferred_element_type=jnp.float32)
           + bl_ref[...])
    h2 = jnp.maximum(pre, 0.0)
    h2_ref[...] = h2
    lane = lax.broadcasted_iota(jnp.int32, (1, 128), 1)
    contrib = (jnp.where(lane == 0, jnp.sum(h2), 0.0)
               + jnp.where(lane == 1, jnp.sum(h2 * h2), 0.0))

    @pl.when(i == 0)
    def _():
        stats_ref[...] = jnp.zeros_like(stats_ref)

    stats_ref[...] += contrib


def _norm_body(h2_ref, stats_ref, w_ref, b_ref, o_ref):
    v = stats_ref[...]
    lane = lax.broadcasted_iota(jnp.int32, (1, 128), 1)
    tot = jnp.sum(jnp.where(lane == 0, v, 0.0))
    totq = jnp.sum(jnp.where(lane == 1, v, 0.0))
    mean = tot / NTOT
    var = totq / NTOT - mean * mean
    scale = lax.rsqrt(var + 1e-5)
    o_ref[...] = (h2_ref[...] - mean) * scale * w_ref[...] + b_ref[...]


def _pre_call(x, w, b):
    return pl.pallas_call(
        _pre_body,
        out_shape=jax.ShapeDtypeStruct((N, HID), jnp.float32),
    )(x, w, b)


def _combine_call(psum, pdeg3, hid, wl, bl, wr):
    return pl.pallas_call(
        _combine_body,
        grid=(NGRID,),
        in_specs=[
            pl.BlockSpec((NC, BR, HID), lambda i: (i * 0, i, i * 0)),
            pl.BlockSpec((NC, BR, 1), lambda i: (i * 0, i, i * 0)),
            pl.BlockSpec((BR, HID), lambda i: (i, i * 0)),
            pl.BlockSpec((HID, HID), lambda i: (i * 0, i * 0)),
            pl.BlockSpec((1, HID), lambda i: (i * 0, i * 0)),
            pl.BlockSpec((HID, HID), lambda i: (i * 0, i * 0)),
        ],
        out_specs=[
            pl.BlockSpec((BR, HID), lambda i: (i, i * 0)),
            pl.BlockSpec((1, 128), lambda i: (i * 0, i * 0)),
        ],
        out_shape=[
            jax.ShapeDtypeStruct((N, HID), jnp.float32),
            jax.ShapeDtypeStruct((1, 128), jnp.float32),
        ],
    )(psum, pdeg3, hid, wl, bl, wr)


def _norm_call(h2, stats, w2, b2):
    return pl.pallas_call(
        _norm_body,
        out_shape=jax.ShapeDtypeStruct((N, HID), jnp.float32),
    )(h2, stats, w2, b2)


def kernel(x, edge_index, edge_attr, W_pre, b_pre, Wl0, bl0, Wr0,
           Wl1, bl1, Wr1, Wl2, bl2, Wr2, ln_w, ln_b):
    del edge_attr
    ei = edge_index.astype(jnp.int32)
    srcI = jnp.pad(ei[0], (0, EPAD - E)).reshape(NW, NB, BE)
    dstI = jnp.pad(ei[1], (0, EPAD - E),
                   constant_values=N).reshape(NW, NB, BE)
    z2 = jnp.zeros((RPT, HID), jnp.float32)
    z1 = jnp.zeros((RPT,), jnp.float32)
    on = jnp.ones((BE,), jnp.float32)

    x = x.astype(jnp.float32)
    b_pre2 = b_pre.reshape(1, HID).astype(jnp.float32)
    w2 = ln_w.reshape(1, HID).astype(jnp.float32)
    b2 = ln_b.reshape(1, HID).astype(jnp.float32)

    hidden = _pre_call(x, W_pre.astype(jnp.float32), b_pre2)
    pdeg3 = None
    for li, (wl, bl, wr) in enumerate(
            ((Wl0, bl0, Wr0), (Wl1, bl1, Wr1), (Wl2, bl2, Wr2))):
        psum, pdeg = _sc_segsum(hidden, srcI, dstI, z2, z1, on)
        if li == 0:
            pdeg3 = pdeg.reshape(NC, PADN, 1)
        h2, stats = _combine_call(psum, pdeg3, hidden,
                                  wl.astype(jnp.float32),
                                  bl.reshape(1, HID).astype(jnp.float32),
                                  wr.astype(jnp.float32))
        hidden = _norm_call(h2, stats, w2, b2)
    return hidden

# --- scband reference (transcript-rebuilt; emitter-appended) ---
"""Pipeline reference for scband-graph-encoder-75196287418938 (READ-ONLY COPY).

The authoritative reference and input builder live on the scoring server;
editing this copy changes nothing except your own understanding.
"""

import jax, jax.numpy as jnp
import numpy as np

jax.config.update("jax_enable_x64", True)

EDGE_LABEL = {"self_note": 0, "overlap": 1, "neighbor": 2}
N_NODES = 10000
N_EDGES = 320000
X_DIM = 128
HID = 128
NUM_LAYERS = 3


def setup_inputs(seed: int = 0):
    key = jax.random.key(seed)
    ks = jax.random.split(key, 24)
    x = jax.random.normal(ks[0], (N_NODES, X_DIM), dtype=jnp.float32)
    edge_index = jax.random.randint(ks[1], (2, N_EDGES), 0, N_NODES, dtype=jnp.int64)
    labels = jax.random.randint(ks[2], (N_EDGES, 1), 0, 3).astype(jnp.float32)
    col1 = jax.random.uniform(ks[3], (N_EDGES, 1), dtype=jnp.float32)
    rest = jax.random.uniform(ks[4], (N_EDGES, 2), dtype=jnp.float32)
    edge_attr = jnp.concatenate([labels, col1, rest], axis=1)
    s = 0.05
    inp = {"x": x, "edge_index": edge_index, "edge_attr": edge_attr}
    inp["W_pre"] = jax.random.normal(ks[5], (X_DIM, HID), dtype=jnp.float32) * s
    inp["b_pre"] = jnp.zeros((HID,), dtype=jnp.float32)
    for i in range(NUM_LAYERS):
        inp["Wl%d" % i] = jax.random.normal(ks[6 + 3 * i], (HID, HID), dtype=jnp.float32) * s
        inp["bl%d" % i] = jnp.zeros((HID,), dtype=jnp.float32)
        inp["Wr%d" % i] = jax.random.normal(ks[7 + 3 * i], (HID, HID), dtype=jnp.float32) * s
    inp["ln_w"] = jnp.ones((HID,), dtype=jnp.float32)
    inp["ln_b"] = jnp.zeros((HID,), dtype=jnp.float32)
    return inp


def _graph_layernorm(h, w, b, eps=1e-5):
    # PyG gnn.LayerNorm(mode='graph'): normalize over all nodes and features
    mean = h.mean()
    hc = h - mean
    var = (hc * hc).mean()
    return hc / jnp.sqrt(var + eps) * w + b


def _sage_conv(h, src, dst, Wl, bl, Wr):
    # PyG SAGEConv(aggr='mean'): out = lin_l(mean_{j in N(i)} x_j) + lin_r(x_i)
    msgs = h[src]
    agg = jax.ops.segment_sum(msgs, dst, num_segments=h.shape[0])
    cnt = jax.ops.segment_sum(jnp.ones((src.shape[0],), dtype=h.dtype), dst, num_segments=h.shape[0])
    agg = agg / jnp.clip(cnt, 1.0, None)[:, None]
    return agg @ Wl + bl + h @ Wr


def _split_edges(edge_index, edge_attr):
    labels = edge_attr[:, 0].astype(jnp.int64)
    group_key = (labels + 2) % 3
    order = jnp.argsort(group_key, stable=True)
    labels_p = labels[order]
    ea_p = edge_attr[order]
    ei = edge_index[:, order]
    onehot = jax.nn.one_hot(labels_p, 3, dtype=edge_attr.dtype)
    ea = jnp.concatenate([onehot, ea_p[:, 1:2]], axis=-1)
    return ei, ea


def reference(x, edge_index, edge_attr, W_pre, b_pre, Wl0, bl0, Wr0, Wl1, bl1, Wr1, Wl2, bl2, Wr2, ln_w, ln_b):
    ei, _ea = _split_edges(edge_index, edge_attr)
    src, dst = ei[0], ei[1]
    hidden = jax.nn.relu(x @ W_pre + b_pre)
    for (Wl, bl, Wr) in ((Wl0, bl0, Wr0), (Wl1, bl1, Wr1), (Wl2, bl2, Wr2)):
        hidden = _graph_layernorm(jax.nn.relu(_sage_conv(hidden, src, dst, Wl, bl, Wr)), ln_w, ln_b)
    return hidden

if __name__ == "__main__":
    import jax
    _d = setup_inputs()
    print(jax.jit(kernel)(*tuple(_d.values())))

</pallas_src>

<mosaic_0001>
#map = affine_map<(d0, d1) -> (0, 0)>
#map1 = affine_map<(d0, d1) -> (0, 0, 0)>
#map2 = affine_map<(d0, d1) -> (0)>
module attributes {stable_mosaic.version = 14 : i64} {
  func.func @_sc_segsum_body(%arg0: i32, %arg1: i32, %arg2: memref<10000x128xf32, #tpu.memory_space<hbm>>, %arg3: memref<32x80x128xi32, #tpu.memory_space<hbm>>, %arg4: memref<32x80x128xi32, #tpu.memory_space<hbm>>, %arg5: memref<640x128xf32, #tpu.memory_space<hbm>>, %arg6: memref<640xf32, #tpu.memory_space<hbm>>, %arg7: memref<128xf32, #tpu.memory_space<hbm>>, %arg8: memref<2x10240x128xf32, #tpu.memory_space<hbm>>, %arg9: memref<2x10240xf32, #tpu.memory_space<hbm>>, %arg10: memref<80x128xi32, #tpu.memory_space<vmem>>, %arg11: memref<80x128xi32, #tpu.memory_space<vmem>>, %arg12: memref<128x128xf32, #tpu.memory_space<vmem>>, %arg13: memref<128xf32, #tpu.memory_space<vmem>>, %arg14: memref<10240x128xf32, #tpu.memory_space<vmem_shared>>, %arg15: memref<10240xf32, #tpu.memory_space<vmem_shared>>, %arg16: memref<!tpu.dma_semaphore, #tpu.memory_space<semaphore_mem>>) attributes {dimension_semantics = [#tpu.dimension_semantics<core_parallel>, #tpu.dimension_semantics<subcore_parallel>], iteration_bounds = array<i64: 2, 16>, scalar_prefetch = 0 : i64, scratch_operands = 7 : i64, tpu.core_type = #tpu.core_type<sc_vector_subcore>, window_params = [{transform_indices = #map}, {transform_indices = #map1}, {transform_indices = #map1}, {transform_indices = #map}, {transform_indices = #map2}, {transform_indices = #map2}, {transform_indices = #map1}, {transform_indices = #map}]} {
    %mul3A = arith.constant 2 : i32
    %mul3A_0 = arith.muli %arg1, %mul3A : i32
    %add3A = arith.addi %mul3A_0, %arg0 : i32
    %mul3A_1 = arith.constant 640 : i32
    %mul3A_2 = arith.muli %arg1, %mul3A_1 : i32
    "tpu.region"() ({
      %run_scoped3A = tpu.sem_alloc : memref<!tpu.dma_semaphore, #tpu.memory_space<semaphore_mem>>
      %dma_start3A = arith.constant 0 : i32
      %dma_start3A_21 = tpu.memref_slice %arg14[%mul3A_2, %dma_start3A] : memref<10240x128xf32, #tpu.memory_space<vmem_shared>> -> memref<640x128xf32, #tpu.memory_space<vmem_shared>>
      tpu.enqueue_dma source(%arg5 : memref<640x128xf32, #tpu.memory_space<hbm>>) target(%dma_start3A_21 : memref<640x128xf32, #tpu.memory_space<vmem_shared>>) target_semaphore(%run_scoped3A : memref<!tpu.dma_semaphore, #tpu.memory_space<semaphore_mem>>)
      %dma_wait3A = arith.constant 0 : i32
      %dma_wait3A_22 = tpu.memref_slice %arg14[%mul3A_2, %dma_wait3A] : memref<10240x128xf32, #tpu.memory_space<vmem_shared>> -> memref<640x128xf32, #tpu.memory_space<vmem_shared>>
      tpu.wait_dma2 semaphore(%run_scoped3A : memref<!tpu.dma_semaphore, #tpu.memory_space<semaphore_mem>>) src(%arg5 : memref<640x128xf32, #tpu.memory_space<hbm>>) dst(%dma_wait3A_22 : memref<640x128xf32, #tpu.memory_space<vmem_shared>>)
      tpu.yield
    }) : () -> ()
    "tpu.region"() ({
      %run_scoped3A = tpu.sem_alloc : memref<!tpu.dma_semaphore, #tpu.memory_space<semaphore_mem>>
      %dma_start3A = tpu.memref_slice %arg15[%mul3A_2] : memref<10240xf32, #tpu.memory_space<vmem_shared>> -> memref<640xf32, #tpu.memory_space<vmem_shared>>
      tpu.enqueue_dma source(%arg6 : memref<640xf32, #tpu.memory_space<hbm>>) target(%dma_start3A : memref<640xf32, #tpu.memory_space<vmem_shared>>) target_semaphore(%run_scoped3A : memref<!tpu.dma_semaphore, #tpu.memory_space<semaphore_mem>>)
      %dma_wait3A = tpu.memref_slice %arg15[%mul3A_2] : memref<10240xf32, #tpu.memory_space<vmem_shared>> -> memref<640xf32, #tpu.memory_space<vmem_shared>>
      tpu.wait_dma2 semaphore(%run_scoped3A : memref<!tpu.dma_semaphore, #tpu.memory_space<semaphore_mem>>) src(%arg6 : memref<640xf32, #tpu.memory_space<hbm>>) dst(%dma_wait3A : memref<640xf32, #tpu.memory_space<vmem_shared>>)
      tpu.yield
    }) : () -> ()
    "tpu.region"() ({
      %run_scoped3A = tpu.sem_alloc : memref<!tpu.dma_semaphore, #tpu.memory_space<semaphore_mem>>
      tpu.enqueue_dma source(%arg7 : memref<128xf32, #tpu.memory_space<hbm>>) target(%arg13 : memref<128xf32, #tpu.memory_space<vmem>>) target_semaphore(%run_scoped3A : memref<!tpu.dma_semaphore, #tpu.memory_space<semaphore_mem>>)
      tpu.wait_dma2 semaphore(%run_scoped3A : memref<!tpu.dma_semaphore, #tpu.memory_space<semaphore_mem>>) src(%arg7 : memref<128xf32, #tpu.memory_space<hbm>>) dst(%arg13 : memref<128xf32, #tpu.memory_space<vmem>>)
      tpu.yield
    }) : () -> ()
    "tpu.region"() ({
      %run_scoped3A = tpu.sem_alloc : memref<!tpu.dma_semaphore, #tpu.memory_space<semaphore_mem>>
      %dma_start3A = arith.constant 0 : i32
      %dma_start3A_21 = arith.constant 0 : i32
      %dma_start3A_22 = tpu.memref_slice %arg3[%add3A, %dma_start3A, %dma_start3A_21] : memref<32x80x128xi32, #tpu.memory_space<hbm>> -> memref<1x80x128xi32, #tpu.memory_space<hbm>>
      %dma_start3A_23 = tpu.memref_squeeze %dma_start3A_22 : memref<1x80x128xi32, #tpu.memory_space<hbm>> -> memref<80x128xi32, #tpu.memory_space<hbm>>
      %dma_start3A_24 = arith.constant 0 : i32
      %dma_start3A_25 = arith.constant 0 : i32
      %dma_start3A_26 = tpu.memref_slice %arg3[%add3A, %dma_start3A_24, %dma_start3A_25] : memref<32x80x128xi32, #tpu.memory_space<hbm>> -> memref<1x80x128xi32, #tpu.memory_space<hbm>>
      %dma_start3A_27 = tpu.memref_squeeze %dma_start3A_26 : memref<1x80x128xi32, #tpu.memory_space<hbm>> -> memref<80x128xi32, #tpu.memory_space<hbm>>
      tpu.enqueue_dma source(%dma_start3A_27 : memref<80x128xi32, #tpu.memory_space<hbm>>) target(%arg10 : memref<80x128xi32, #tpu.memory_space<vmem>>) target_semaphore(%run_scoped3A : memref<!tpu.dma_semaphore, #tpu.memory_space<semaphore_mem>>)
      %dma_wait3A = arith.constant 0 : i32
      %dma_wait3A_28 = arith.constant 0 : i32
      %dma_wait3A_29 = tpu.memref_slice %arg3[%add3A, %dma_wait3A, %dma_wait3A_28] : memref<32x80x128xi32, #tpu.memory_space<hbm>> -> memref<1x80x128xi32, #tpu.memory_space<hbm>>
      %dma_wait3A_30 = tpu.memref_squeeze %dma_wait3A_29 : memref<1x80x128xi32, #tpu.memory_space<hbm>> -> memref<80x128xi32, #tpu.memory_space<hbm>>
      %dma_wait3A_31 = arith.constant 0 : i32
      %dma_wait3A_32 = arith.constant 0 : i32
      %dma_wait3A_33 = tpu.memref_slice %arg3[%add3A, %dma_wait3A_31, %dma_wait3A_32] : memref<32x80x128xi32, #tpu.memory_space<hbm>> -> memref<1x80x128xi32, #tpu.memory_space<hbm>>
      %dma_wait3A_34 = tpu.memref_squeeze %dma_wait3A_33 : memref<1x80x128xi32, #tpu.memory_space<hbm>> -> memref<80x128xi32, #tpu.memory_space<hbm>>
      tpu.wait_dma2 semaphore(%run_scoped3A : memref<!tpu.dma_semaphore, #tpu.memory_space<semaphore_mem>>) src(%dma_wait3A_34 : memref<80x128xi32, #tpu.memory_space<hbm>>) dst(%arg10 : memref<80x128xi32, #tpu.memory_space<vmem>>)
      tpu.yield
    }) : () -> ()
    "tpu.region"() ({
      %run_scoped3A = tpu.sem_alloc : memref<!tpu.dma_semaphore, #tpu.memory_space<semaphore_mem>>
      %dma_start3A = arith.constant 0 : i32
      %dma_start3A_21 = arith.constant 0 : i32
      %dma_start3A_22 = tpu.memref_slice %arg4[%add3A, %dma_start3A, %dma_start3A_21] : memref<32x80x128xi32, #tpu.memory_space<hbm>> -> memref<1x80x128xi32, #tpu.memory_space<hbm>>
      %dma_start3A_23 = tpu.memref_squeeze %dma_start3A_22 : memref<1x80x128xi32, #tpu.memory_space<hbm>> -> memref<80x128xi32, #tpu.memory_space<hbm>>
      %dma_start3A_24 = arith.constant 0 : i32
      %dma_start3A_25 = arith.constant 0 : i32
      %dma_start3A_26 = tpu.memref_slice %arg4[%add3A, %dma_start3A_24, %dma_start3A_25] : memref<32x80x128xi32, #tpu.memory_space<hbm>> -> memref<1x80x128xi32, #tpu.memory_space<hbm>>
      %dma_start3A_27 = tpu.memref_squeeze %dma_start3A_26 : memref<1x80x128xi32, #tpu.memory_space<hbm>> -> memref<80x128xi32, #tpu.memory_space<hbm>>
      tpu.enqueue_dma source(%dma_start3A_27 : memref<80x128xi32, #tpu.memory_space<hbm>>) target(%arg11 : memref<80x128xi32, #tpu.memory_space<vmem>>) target_semaphore(%run_scoped3A : memref<!tpu.dma_semaphore, #tpu.memory_space<semaphore_mem>>)
      %dma_wait3A = arith.constant 0 : i32
      %dma_wait3A_28 = arith.constant 0 : i32
      %dma_wait3A_29 = tpu.memref_slice %arg4[%add3A, %dma_wait3A, %dma_wait3A_28] : memref<32x80x128xi32, #tpu.memory_space<hbm>> -> memref<1x80x128xi32, #tpu.memory_space<hbm>>
      %dma_wait3A_30 = tpu.memref_squeeze %dma_wait3A_29 : memref<1x80x128xi32, #tpu.memory_space<hbm>> -> memref<80x128xi32, #tpu.memory_space<hbm>>
      %dma_wait3A_31 = arith.constant 0 : i32
      %dma_wait3A_32 = arith.constant 0 : i32
      %dma_wait3A_33 = tpu.memref_slice %arg4[%add3A, %dma_wait3A_31, %dma_wait3A_32] : memref<32x80x128xi32, #tpu.memory_space<hbm>> -> memref<1x80x128xi32, #tpu.memory_space<hbm>>
      %dma_wait3A_34 = tpu.memref_squeeze %dma_wait3A_33 : memref<1x80x128xi32, #tpu.memory_space<hbm>> -> memref<80x128xi32, #tpu.memory_space<hbm>>
      tpu.wait_dma2 semaphore(%run_scoped3A : memref<!tpu.dma_semaphore, #tpu.memory_space<semaphore_mem>>) src(%dma_wait3A_34 : memref<80x128xi32, #tpu.memory_space<hbm>>) dst(%arg11 : memref<80x128xi32, #tpu.memory_space<vmem>>)
      tpu.yield
    }) : () -> ()
    %barrier3A = arith.constant 0 : index
    tpu.barrier barrier_id(%barrier3A)
    %sub3A = arith.constant 80 : i32
    %sub3A_3 = arith.constant 0 : i32
    %sub3A_4 = arith.subi %sub3A, %sub3A_3 : i32
    %sub3A_5 = arith.constant 1 : i32
    %sub3A_6 = arith.constant 1 : i32
    %sub3A_7 = arith.subi %sub3A_5, %sub3A_6 : i32
    %add3A_8 = arith.addi %sub3A_4, %sub3A_7 : i32
    %div3A = arith.constant 1 : i32
    %div3A_9 = arith.divsi %add3A_8, %div3A : i32
    %while3A = arith.constant 1 : i32
    %while3A_10 = arith.constant 0 : i32
    %while3A_11 = arith.constant 0 : i32
    %while3A_12 = arith.subi %div3A_9, %while3A_11 : i32
    %while3A_13 = arith.addi %while3A_11, %while3A_12 : i32
    %while3A_14 = arith.constant 1 : i32
    %while3A_15 = arith.divsi %while3A_12, %while3A_14 : i32
    %while3A_16 = arith.muli %while3A_15, %while3A_14 : i32
    %while3A_17 = arith.addi %while3A_11, %while3A_16 : i32
    %while3A_18 = arith.constant 1 : i32
    scf.for %while3A_21 = %while3A_11 to %while3A_17 step %while3A_18  : i32 {
      %mul3A_22 = arith.muli %while3A_21, %while3A : i32
      %add3A_23 = arith.addi %while3A_10, %mul3A_22 : i32
      %dma_start3A = arith.constant 0 : i32
      %dma_start3A_24 = tpu.memref_slice %arg10[%add3A_23, %dma_start3A] : memref<80x128xi32, #tpu.memory_space<vmem>> -> memref<1x128xi32, #tpu.memory_space<vmem>>
      %dma_start3A_25 = tpu.memref_squeeze %dma_start3A_24 : memref<1x128xi32, #tpu.memory_space<vmem>> -> memref<128xi32, #tpu.memory_space<vmem>>
      %dma_start3A_26 = arith.constant 0 : i32
      %dma_start3A_27 = arith.constant 0 : i32
      %dma_start3A_28 = tpu.memref_slice %arg2[%dma_start3A_26, %dma_start3A_27] : memref<10000x128xf32, #tpu.memory_space<hbm>> -> memref<10000x128xf32, #tpu.memory_space<hbm>>
      tpu.enqueue_indirect_dma source(%dma_start3A_28 : memref<10000x128xf32, #tpu.memory_space<hbm>>) target(%arg12 : memref<128x128xf32, #tpu.memory_space<vmem>>) offsets(%dma_start3A_25 : memref<128xi32, #tpu.memory_space<vmem>>) semaphore(%arg16 : memref<!tpu.dma_semaphore, #tpu.memory_space<semaphore_mem>>)
      %dma_wait3A = arith.constant 0 : i32
      %dma_wait3A_29 = tpu.memref_slice %arg10[%add3A_23, %dma_wait3A] : memref<80x128xi32, #tpu.memory_space<vmem>> -> memref<1x128xi32, #tpu.memory_space<vmem>>
      %dma_wait3A_30 = tpu.memref_squeeze %dma_wait3A_29 : memref<1x128xi32, #tpu.memory_space<vmem>> -> memref<128xi32, #tpu.memory_space<vmem>>
      %dma_wait3A_31 = arith.constant 0 : i32
      %dma_wait3A_32 = arith.constant 0 : i32
      %dma_wait3A_33 = tpu.memref_slice %arg2[%dma_wait3A_31, %dma_wait3A_32] : memref<10000x128xf32, #tpu.memory_space<hbm>> -> memref<10000x128xf32, #tpu.memory_space<hbm>>
      tpu.wait_indirect_dma semaphore(%arg16 : memref<!tpu.dma_semaphore, #tpu.memory_space<semaphore_mem>>) src(%dma_wait3A_33 : memref<10000x128xf32, #tpu.memory_space<hbm>>) dst(%arg12 : memref<128x128xf32, #tpu.memory_space<vmem>>)
      "tpu.region"() ({
        %run_scoped3A = tpu.sem_alloc : memref<!tpu.dma_semaphore, #tpu.memory_space<semaphore_mem>>
        %dma_start3A_34 = arith.constant 0 : i32
        %dma_start3A_35 = tpu.memref_slice %arg11[%add3A_23, %dma_start3A_34] : memref<80x128xi32, #tpu.memory_space<vmem>> -> memref<1x128xi32, #tpu.memory_space<vmem>>
        %dma_start3A_36 = tpu.memref_squeeze %dma_start3A_35 : memref<1x128xi32, #tpu.memory_space<vmem>> -> memref<128xi32, #tpu.memory_space<vmem>>
        %dma_start3A_37 = arith.constant 0 : i32
        %dma_start3A_38 = arith.constant 0 : i32
        %dma_start3A_39 = tpu.memref_slice %arg14[%dma_start3A_37, %dma_start3A_38] : memref<10240x128xf32, #tpu.memory_space<vmem_shared>> -> memref<10240x128xf32, #tpu.memory_space<vmem_shared>>
        tpu.enqueue_indirect_dma source(%arg12 : memref<128x128xf32, #tpu.memory_space<vmem>>) target(%dma_start3A_39 : memref<10240x128xf32, #tpu.memory_space<vmem_shared>>) offsets(%dma_start3A_36 : memref<128xi32, #tpu.memory_space<vmem>>) semaphore(%run_scoped3A : memref<!tpu.dma_semaphore, #tpu.memory_space<semaphore_mem>>) {add = true}
        %dma_wait3A_40 = arith.constant 0 : i32
        %dma_wait3A_41 = tpu.memref_slice %arg11[%add3A_23, %dma_wait3A_40] : memref<80x128xi32, #tpu.memory_space<vmem>> -> memref<1x128xi32, #tpu.memory_space<vmem>>
        %dma_wait3A_42 = tpu.memref_squeeze %dma_wait3A_41 : memref<1x128xi32, #tpu.memory_space<vmem>> -> memref<128xi32, #tpu.memory_space<vmem>>
        %dma_wait3A_43 = arith.constant 0 : i32
        %dma_wait3A_44 = arith.constant 0 : i32
        %dma_wait3A_45 = tpu.memref_slice %arg14[%dma_wait3A_43, %dma_wait3A_44] : memref<10240x128xf32, #tpu.memory_space<vmem_shared>> -> memref<10240x128xf32, #tpu.memory_space<vmem_shared>>
        tpu.wait_indirect_dma semaphore(%run_scoped3A : memref<!tpu.dma_semaphore, #tpu.memory_space<semaphore_mem>>) src(%arg12 : memref<128x128xf32, #tpu.memory_space<vmem>>) dst(%dma_wait3A_45 : memref<10240x128xf32, #tpu.memory_space<vmem_shared>>)
        tpu.yield
      }) : () -> ()
      "tpu.region"() ({
        %run_scoped3A = tpu.sem_alloc : memref<!tpu.dma_semaphore, #tpu.memory_space<semaphore_mem>>
        %dma_start3A_34 = arith.constant 0 : i32
        %dma_start3A_35 = tpu.memref_slice %arg11[%add3A_23, %dma_start3A_34] : memref<80x128xi32, #tpu.memory_space<vmem>> -> memref<1x128xi32, #tpu.memory_space<vmem>>
        %dma_start3A_36 = tpu.memref_squeeze %dma_start3A_35 : memref<1x128xi32, #tpu.memory_space<vmem>> -> memref<128xi32, #tpu.memory_space<vmem>>
        %dma_start3A_37 = arith.constant 0 : i32
        %dma_start3A_38 = tpu.memref_slice %arg15[%dma_start3A_37] : memref<10240xf32, #tpu.memory_space<vmem_shared>> -> memref<10240xf32, #tpu.memory_space<vmem_shared>>
        tpu.enqueue_indirect_dma source(%arg13 : memref<128xf32, #tpu.memory_space<vmem>>) target(%dma_start3A_38 : memref<10240xf32, #tpu.memory_space<vmem_shared>>) offsets(%dma_start3A_36 : memref<128xi32, #tpu.memory_space<vmem>>) semaphore(%run_scoped3A : memref<!tpu.dma_semaphore, #tpu.memory_space<semaphore_mem>>) {add = true}
        %dma_wait3A_39 = arith.constant 0 : i32
        %dma_wait3A_40 = tpu.memref_slice %arg11[%add3A_23, %dma_wait3A_39] : memref<80x128xi32, #tpu.memory_space<vmem>> -> memref<1x128xi32, #tpu.memory_space<vmem>>
        %dma_wait3A_41 = tpu.memref_squeeze %dma_wait3A_40 : memref<1x128xi32, #tpu.memory_space<vmem>> -> memref<128xi32, #tpu.memory_space<vmem>>
        %dma_wait3A_42 = arith.constant 0 : i32
        %dma_wait3A_43 = tpu.memref_slice %arg15[%dma_wait3A_42] : memref<10240xf32, #tpu.memory_space<vmem_shared>> -> memref<10240xf32, #tpu.memory_space<vmem_shared>>
        tpu.wait_indirect_dma semaphore(%run_scoped3A : memref<!tpu.dma_semaphore, #tpu.memory_space<semaphore_mem>>) src(%arg13 : memref<128xf32, #tpu.memory_space<vmem>>) dst(%dma_wait3A_43 : memref<10240xf32, #tpu.memory_space<vmem_shared>>)
        tpu.yield
      }) : () -> ()
    }
    %while3A_19 = arith.constant 1 : i32
    scf.for %while3A_21 = %while3A_17 to %while3A_13 step %while3A_19  : i32 {
      %mul3A_22 = arith.muli %while3A_21, %while3A : i32
      %add3A_23 = arith.addi %while3A_10, %mul3A_22 : i32
      %dma_start3A = arith.constant 0 : i32
      %dma_start3A_24 = tpu.memref_slice %arg10[%add3A_23, %dma_start3A] : memref<80x128xi32, #tpu.memory_space<vmem>> -> memref<1x128xi32, #tpu.memory_space<vmem>>
      %dma_start3A_25 = tpu.memref_squeeze %dma_start3A_24 : memref<1x128xi32, #tpu.memory_space<vmem>> -> memref<128xi32, #tpu.memory_space<vmem>>
      %dma_start3A_26 = arith.constant 0 : i32
      %dma_start3A_27 = arith.constant 0 : i32
      %dma_start3A_28 = tpu.memref_slice %arg2[%dma_start3A_26, %dma_start3A_27] : memref<10000x128xf32, #tpu.memory_space<hbm>> -> memref<10000x128xf32, #tpu.memory_space<hbm>>
      tpu.enqueue_indirect_dma source(%dma_start3A_28 : memref<10000x128xf32, #tpu.memory_space<hbm>>) target(%arg12 : memref<128x128xf32, #tpu.memory_space<vmem>>) offsets(%dma_start3A_25 : memref<128xi32, #tpu.memory_space<vmem>>) semaphore(%arg16 : memref<!tpu.dma_semaphore, #tpu.memory_space<semaphore_mem>>)
      %dma_wait3A = arith.constant 0 : i32
      %dma_wait3A_29 = tpu.memref_slice %arg10[%add3A_23, %dma_wait3A] : memref<80x128xi32, #tpu.memory_space<vmem>> -> memref<1x128xi32, #tpu.memory_space<vmem>>
      %dma_wait3A_30 = tpu.memref_squeeze %dma_wait3A_29 : memref<1x128xi32, #tpu.memory_space<vmem>> -> memref<128xi32, #tpu.memory_space<vmem>>
      %dma_wait3A_31 = arith.constant 0 : i32
      %dma_wait3A_32 = arith.constant 0 : i32
      %dma_wait3A_33 = tpu.memref_slice %arg2[%dma_wait3A_31, %dma_wait3A_32] : memref<10000x128xf32, #tpu.memory_space<hbm>> -> memref<10000x128xf32, #tpu.memory_space<hbm>>
      tpu.wait_indirect_dma semaphore(%arg16 : memref<!tpu.dma_semaphore, #tpu.memory_space<semaphore_mem>>) src(%dma_wait3A_33 : memref<10000x128xf32, #tpu.memory_space<hbm>>) dst(%arg12 : memref<128x128xf32, #tpu.memory_space<vmem>>)
      "tpu.region"() ({
        %run_scoped3A = tpu.sem_alloc : memref<!tpu.dma_semaphore, #tpu.memory_space<semaphore_mem>>
        %dma_start3A_34 = arith.constant 0 : i32
        %dma_start3A_35 = tpu.memref_slice %arg11[%add3A_23, %dma_start3A_34] : memref<80x128xi32, #tpu.memory_space<vmem>> -> memref<1x128xi32, #tpu.memory_space<vmem>>
        %dma_start3A_36 = tpu.memref_squeeze %dma_start3A_35 : memref<1x128xi32, #tpu.memory_space<vmem>> -> memref<128xi32, #tpu.memory_space<vmem>>
        %dma_start3A_37 = arith.constant 0 : i32
        %dma_start3A_38 = arith.constant 0 : i32
        %dma_start3A_39 = tpu.memref_slice %arg14[%dma_start3A_37, %dma_start3A_38] : memref<10240x128xf32, #tpu.memory_space<vmem_shared>> -> memref<10240x128xf32, #tpu.memory_space<vmem_shared>>
        tpu.enqueue_indirect_dma source(%arg12 : memref<128x128xf32, #tpu.memory_space<vmem>>) target(%dma_start3A_39 : memref<10240x128xf32, #tpu.memory_space<vmem_shared>>) offsets(%dma_start3A_36 : memref<128xi32, #tpu.memory_space<vmem>>) semaphore(%run_scoped3A : memref<!tpu.dma_semaphore, #tpu.memory_space<semaphore_mem>>) {add = true}
        %dma_wait3A_40 = arith.constant 0 : i32
        %dma_wait3A_41 = tpu.memref_slice %arg11[%add3A_23, %dma_wait3A_40] : memref<80x128xi32, #tpu.memory_space<vmem>> -> memref<1x128xi32, #tpu.memory_space<vmem>>
        %dma_wait3A_42 = tpu.memref_squeeze %dma_wait3A_41 : memref<1x128xi32, #tpu.memory_space<vmem>> -> memref<128xi32, #tpu.memory_space<vmem>>
        %dma_wait3A_43 = arith.constant 0 : i32
        %dma_wait3A_44 = arith.constant 0 : i32
        %dma_wait3A_45 = tpu.memref_slice %arg14[%dma_wait3A_43, %dma_wait3A_44] : memref<10240x128xf32, #tpu.memory_space<vmem_shared>> -> memref<10240x128xf32, #tpu.memory_space<vmem_shared>>
        tpu.wait_indirect_dma semaphore(%run_scoped3A : memref<!tpu.dma_semaphore, #tpu.memory_space<semaphore_mem>>) src(%arg12 : memref<128x128xf32, #tpu.memory_space<vmem>>) dst(%dma_wait3A_45 : memref<10240x128xf32, #tpu.memory_space<vmem_shared>>)
        tpu.yield
      }) : () -> ()
      "tpu.region"() ({
        %run_scoped3A = tpu.sem_alloc : memref<!tpu.dma_semaphore, #tpu.memory_space<semaphore_mem>>
        %dma_start3A_34 = arith.constant 0 : i32
        %dma_start3A_35 = tpu.memref_slice %arg11[%add3A_23, %dma_start3A_34] : memref<80x128xi32, #tpu.memory_space<vmem>> -> memref<1x128xi32, #tpu.memory_space<vmem>>
        %dma_start3A_36 = tpu.memref_squeeze %dma_start3A_35 : memref<1x128xi32, #tpu.memory_space<vmem>> -> memref<128xi32, #tpu.memory_space<vmem>>
        %dma_start3A_37 = arith.constant 0 : i32
        %dma_start3A_38 = tpu.memref_slice %arg15[%dma_start3A_37] : memref<10240xf32, #tpu.memory_space<vmem_shared>> -> memref<10240xf32, #tpu.memory_space<vmem_shared>>
        tpu.enqueue_indirect_dma source(%arg13 : memref<128xf32, #tpu.memory_space<vmem>>) target(%dma_start3A_38 : memref<10240xf32, #tpu.memory_space<vmem_shared>>) offsets(%dma_start3A_36 : memref<128xi32, #tpu.memory_space<vmem>>) semaphore(%run_scoped3A : memref<!tpu.dma_semaphore, #tpu.memory_space<semaphore_mem>>) {add = true}
        %dma_wait3A_39 = arith.constant 0 : i32
        %dma_wait3A_40 = tpu.memref_slice %arg11[%add3A_23, %dma_wait3A_39] : memref<80x128xi32, #tpu.memory_space<vmem>> -> memref<1x128xi32, #tpu.memory_space<vmem>>
        %dma_wait3A_41 = tpu.memref_squeeze %dma_wait3A_40 : memref<1x128xi32, #tpu.memory_space<vmem>> -> memref<128xi32, #tpu.memory_space<vmem>>
        %dma_wait3A_42 = arith.constant 0 : i32
        %dma_wait3A_43 = tpu.memref_slice %arg15[%dma_wait3A_42] : memref<10240xf32, #tpu.memory_space<vmem_shared>> -> memref<10240xf32, #tpu.memory_space<vmem_shared>>
        tpu.wait_indirect_dma semaphore(%run_scoped3A : memref<!tpu.dma_semaphore, #tpu.memory_space<semaphore_mem>>) src(%arg13 : memref<128xf32, #tpu.memory_space<vmem>>) dst(%dma_wait3A_43 : memref<10240xf32, #tpu.memory_space<vmem_shared>>)
        tpu.yield
      }) : () -> ()
    }
    %barrier3A_20 = arith.constant 0 : index
    tpu.barrier barrier_id(%barrier3A_20)
    "tpu.region"() ({
      %run_scoped3A = tpu.sem_alloc : memref<!tpu.dma_semaphore, #tpu.memory_space<semaphore_mem>>
      %dma_start3A = arith.constant 0 : i32
      %dma_start3A_21 = arith.constant 0 : i32
      %dma_start3A_22 = tpu.memref_slice %arg8[%arg0, %dma_start3A, %dma_start3A_21] : memref<2x10240x128xf32, #tpu.memory_space<hbm>> -> memref<1x10240x128xf32, #tpu.memory_space<hbm>>
      %dma_start3A_23 = tpu.memref_squeeze %dma_start3A_22 : memref<1x10240x128xf32, #tpu.memory_space<hbm>> -> memref<10240x128xf32, #tpu.memory_space<hbm>>
      %dma_start3A_24 = arith.constant 0 : i32
      %dma_start3A_25 = tpu.memref_slice %dma_start3A_23[%mul3A_2, %dma_start3A_24] : memref<10240x128xf32, #tpu.memory_space<hbm>> -> memref<640x128xf32, #tpu.memory_space<hbm>>
      %dma_start3A_26 = arith.constant 0 : i32
      %dma_start3A_27 = tpu.memref_slice %arg14[%mul3A_2, %dma_start3A_26] : memref<10240x128xf32, #tpu.memory_space<vmem_shared>> -> memref<640x128xf32, #tpu.memory_space<vmem_shared>>
      tpu.enqueue_dma source(%dma_start3A_27 : memref<640x128xf32, #tpu.memory_space<vmem_shared>>) target(%dma_start3A_25 : memref<640x128xf32, #tpu.memory_space<hbm>>) target_semaphore(%run_scoped3A : memref<!tpu.dma_semaphore, #tpu.memory_space<semaphore_mem>>)
      %dma_wait3A = arith.constant 0 : i32
      %dma_wait3A_28 = arith.constant 0 : i32
      %dma_wait3A_29 = tpu.memref_slice %arg8[%arg0, %dma_wait3A, %dma_wait3A_28] : memref<2x10240x128xf32, #tpu.memory_space<hbm>> -> memref<1x10240x128xf32, #tpu.memory_space<hbm>>
      %dma_wait3A_30 = tpu.memref_squeeze %dma_wait3A_29 : memref<1x10240x128xf32, #tpu.memory_space<hbm>> -> memref<10240x128xf32, #tpu.memory_space<hbm>>
      %dma_wait3A_31 = arith.constant 0 : i32
      %dma_wait3A_32 = tpu.memref_slice %dma_wait3A_30[%mul3A_2, %dma_wait3A_31] : memref<10240x128xf32, #tpu.memory_space<hbm>> -> memref<640x128xf32, #tpu.memory_space<hbm>>
      %dma_wait3A_33 = arith.constant 0 : i32
      %dma_wait3A_34 = tpu.memref_slice %arg14[%mul3A_2, %dma_wait3A_33] : memref<10240x128xf32, #tpu.memory_space<vmem_shared>> -> memref<640x128xf32, #tpu.memory_space<vmem_shared>>
      tpu.wait_dma2 semaphore(%run_scoped3A : memref<!tpu.dma_semaphore, #tpu.memory_space<semaphore_mem>>) src(%dma_wait3A_34 : memref<640x128xf32, #tpu.memory_space<vmem_shared>>) dst(%dma_wait3A_32 : memref<640x128xf32, #tpu.memory_space<hbm>>)
      tpu.yield
    }) : () -> ()
    "tpu.region"() ({
      %run_scoped3A = tpu.sem_alloc : memref<!tpu.dma_semaphore, #tpu.memory_space<semaphore_mem>>
      %dma_start3A = arith.constant 0 : i32
      %dma_start3A_21 = tpu.memref_slice %arg9[%arg0, %dma_start3A] : memref<2x10240xf32, #tpu.memory_space<hbm>> -> memref<1x10240xf32, #tpu.memory_space<hbm>>
      %dma_start3A_22 = tpu.memref_squeeze %dma_start3A_21 : memref<1x10240xf32, #tpu.memory_space<hbm>> -> memref<10240xf32, #tpu.memory_space<hbm>>
      %dma_start3A_23 = tpu.memref_slice %dma_start3A_22[%mul3A_2] : memref<10240xf32, #tpu.memory_space<hbm>> -> memref<640xf32, #tpu.memory_space<hbm>>
      %dma_start3A_24 = tpu.memref_slice %arg15[%mul3A_2] : memref<10240xf32, #tpu.memory_space<vmem_shared>> -> memref<640xf32, #tpu.memory_space<vmem_shared>>
      tpu.enqueue_dma source(%dma_start3A_24 : memref<640xf32, #tpu.memory_space<vmem_shared>>) target(%dma_start3A_23 : memref<640xf32, #tpu.memory_space<hbm>>) target_semaphore(%run_scoped3A : memref<!tpu.dma_semaphore, #tpu.memory_space<semaphore_mem>>)
      %dma_wait3A = arith.constant 0 : i32
      %dma_wait3A_25 = tpu.memref_slice %arg9[%arg0, %dma_wait3A] : memref<2x10240xf32, #tpu.memory_space<hbm>> -> memref<1x10240xf32, #tpu.memory_space<hbm>>
      %dma_wait3A_26 = tpu.memref_squeeze %dma_wait3A_25 : memref<1x10240xf32, #tpu.memory_space<hbm>> -> memref<10240xf32, #tpu.memory_space<hbm>>
      %dma_wait3A_27 = tpu.memref_slice %dma_wait3A_26[%mul3A_2] : memref<10240xf32, #tpu.memory_space<hbm>> -> memref<640xf32, #tpu.memory_space<hbm>>
      %dma_wait3A_28 = tpu.memref_slice %arg15[%mul3A_2] : memref<10240xf32, #tpu.memory_space<vmem_shared>> -> memref<640xf32, #tpu.memory_space<vmem_shared>>
      tpu.wait_dma2 semaphore(%run_scoped3A : memref<!tpu.dma_semaphore, #tpu.memory_space<semaphore_mem>>) src(%dma_wait3A_28 : memref<640xf32, #tpu.memory_space<vmem_shared>>) dst(%dma_wait3A_27 : memref<640xf32, #tpu.memory_space<hbm>>)
      tpu.yield
    }) : () -> ()
    return
  }
}

#map = affine_map<(d0, d1) -> (0, 0)>
#map1 = affine_map<(d0, d1) -> (0, 0, 0)>
#map2 = affine_map<(d0, d1) -> (0)>
module attributes {stable_mosaic.version = 14 : i64} {
  func.func @_sc_segsum_body(%arg0: i32, %arg1: i32, %arg2: memref<10000x128xf32, #tpu.memory_space<hbm>>, %arg3: memref<32x80x128xi32, #tpu.memory_space<hbm>>, %arg4: memref<32x80x128xi32, #tpu.memory_space<hbm>>, %arg5: memref<640x128xf32, #tpu.memory_space<hbm>>, %arg6: memref<640xf32, #tpu.memory_space<hbm>>, %arg7: memref<128xf32, #tpu.memory_space<hbm>>, %arg8: memref<2x10240x128xf32, #tpu.memory_space<hbm>>, %arg9: memref<2x10240xf32, #tpu.memory_space<hbm>>, %arg10: memref<80x128xi32, #tpu.memory_space<vmem>>, %arg11: memref<80x128xi32, #tpu.memory_space<vmem>>, %arg12: memref<128x128xf32, #tpu.memory_space<vmem>>, %arg13: memref<128xf32, #tpu.memory_space<vmem>>, %arg14: memref<10240x128xf32, #tpu.memory_space<vmem_shared>>, %arg15: memref<10240xf32, #tpu.memory_space<vmem_shared>>, %arg16: memref<!tpu.dma_semaphore, #tpu.memory_space<semaphore_mem>>) attributes {dimension_semantics = [#tpu.dimension_semantics<core_parallel>, #tpu.dimension_semantics<subcore_parallel>], iteration_bounds = array<i64: 2, 16>, scalar_prefetch = 0 : i64, scratch_operands = 7 : i64, tpu.core_type = #tpu.core_type<sc_vector_subcore>, window_params = [{transform_indices = #map}, {transform_indices = #map1}, {transform_indices = #map1}, {transform_indices = #map}, {transform_indices = #map2}, {transform_indices = #map2}, {transform_indices = #map1}, {transform_indices = #map}]} {
    %mul3A = arith.constant 2 : i32
    %mul3A_0 = arith.muli %arg1, %mul3A : i32
    %add3A = arith.addi %mul3A_0, %arg0 : i32
    %mul3A_1 = arith.constant 640 : i32
    %mul3A_2 = arith.muli %arg1, %mul3A_1 : i32
    "tpu.region"() ({
      %run_scoped3A = tpu.sem_alloc : memref<!tpu.dma_semaphore, #tpu.memory_space<semaphore_mem>>
      %dma_start3A = arith.constant 0 : i32
      %dma_start3A_21 = tpu.memref_slice %arg14[%mul3A_2, %dma_start3A] : memref<10240x128xf32, #tpu.memory_space<vmem_shared>> -> memref<640x128xf32, #tpu.memory_space<vmem_shared>>
      tpu.enqueue_dma source(%arg5 : memref<640x128xf32, #tpu.memory_space<hbm>>) target(%dma_start3A_21 : memref<640x128xf32, #tpu.memory_space<vmem_shared>>) target_semaphore(%run_scoped3A : memref<!tpu.dma_semaphore, #tpu.memory_space<semaphore_mem>>)
      %dma_wait3A = arith.constant 0 : i32
      %dma_wait3A_22 = tpu.memref_slice %arg14[%mul3A_2, %dma_wait3A] : memref<10240x128xf32, #tpu.memory_space<vmem_shared>> -> memref<640x128xf32, #tpu.memory_space<vmem_shared>>
      tpu.wait_dma2 semaphore(%run_scoped3A : memref<!tpu.dma_semaphore, #tpu.memory_space<semaphore_mem>>) src(%arg5 : memref<640x128xf32, #tpu.memory_space<hbm>>) dst(%dma_wait3A_22 : memref<640x128xf32, #tpu.memory_space<vmem_shared>>)
      tpu.yield
    }) : () -> ()
    "tpu.region"() ({
      %run_scoped3A = tpu.sem_alloc : memref<!tpu.dma_semaphore, #tpu.memory_space<semaphore_mem>>
      %dma_start3A = tpu.memref_slice %arg15[%mul3A_2] : memref<10240xf32, #tpu.memory_space<vmem_shared>> -> memref<640xf32, #tpu.memory_space<vmem_shared>>
      tpu.enqueue_dma source(%arg6 : memref<640xf32, #tpu.memory_space<hbm>>) target(%dma_start3A : memref<640xf32, #tpu.memory_space<vmem_shared>>) target_semaphore(%run_scoped3A : memref<!tpu.dma_semaphore, #tpu.memory_space<semaphore_mem>>)
      %dma_wait3A = tpu.memref_slice %arg15[%mul3A_2] : memref<10240xf32, #tpu.memory_space<vmem_shared>> -> memref<640xf32, #tpu.memory_space<vmem_shared>>
      tpu.wait_dma2 semaphore(%run_scoped3A : memref<!tpu.dma_semaphore, #tpu.memory_space<semaphore_mem>>) src(%arg6 : memref<640xf32, #tpu.memory_space<hbm>>) dst(%dma_wait3A : memref<640xf32, #tpu.memory_space<vmem_shared>>)
      tpu.yield
    }) : () -> ()
    "tpu.region"() ({
      %run_scoped3A = tpu.sem_alloc : memref<!tpu.dma_semaphore, #tpu.memory_space<semaphore_mem>>
      tpu.enqueue_dma source(%arg7 : memref<128xf32, #tpu.memory_space<hbm>>) target(%arg13 : memref<128xf32, #tpu.memory_space<vmem>>) target_semaphore(%run_scoped3A : memref<!tpu.dma_semaphore, #tpu.memory_space<semaphore_mem>>)
      tpu.wait_dma2 semaphore(%run_scoped3A : memref<!tpu.dma_semaphore, #tpu.memory_space<semaphore_mem>>) src(%arg7 : memref<128xf32, #tpu.memory_space<hbm>>) dst(%arg13 : memref<128xf32, #tpu.memory_space<vmem>>)
      tpu.yield
    }) : () -> ()
    "tpu.region"() ({
      %run_scoped3A = tpu.sem_alloc : memref<!tpu.dma_semaphore, #tpu.memory_space<semaphore_mem>>
      %dma_start3A = arith.constant 0 : i32
      %dma_start3A_21 = arith.constant 0 : i32
      %dma_start3A_22 = tpu.memref_slice %arg3[%add3A, %dma_start3A, %dma_start3A_21] : memref<32x80x128xi32, #tpu.memory_space<hbm>> -> memref<1x80x128xi32, #tpu.memory_space<hbm>>
      %dma_start3A_23 = tpu.memref_squeeze %dma_start3A_22 : memref<1x80x128xi32, #tpu.memory_space<hbm>> -> memref<80x128xi32, #tpu.memory_space<hbm>>
      %dma_start3A_24 = arith.constant 0 : i32
      %dma_start3A_25 = arith.constant 0 : i32
      %dma_start3A_26 = tpu.memref_slice %arg3[%add3A, %dma_start3A_24, %dma_start3A_25] : memref<32x80x128xi32, #tpu.memory_space<hbm>> -> memref<1x80x128xi32, #tpu.memory_space<hbm>>
      %dma_start3A_27 = tpu.memref_squeeze %dma_start3A_26 : memref<1x80x128xi32, #tpu.memory_space<hbm>> -> memref<80x128xi32, #tpu.memory_space<hbm>>
      tpu.enqueue_dma source(%dma_start3A_27 : memref<80x128xi32, #tpu.memory_space<hbm>>) target(%arg10 : memref<80x128xi32, #tpu.memory_space<vmem>>) target_semaphore(%run_scoped3A : memref<!tpu.dma_semaphore, #tpu.memory_space<semaphore_mem>>)
      %dma_wait3A = arith.constant 0 : i32
      %dma_wait3A_28 = arith.constant 0 : i32
      %dma_wait3A_29 = tpu.memref_slice %arg3[%add3A, %dma_wait3A, %dma_wait3A_28] : memref<32x80x128xi32, #tpu.memory_space<hbm>> -> memref<1x80x128xi32, #tpu.memory_space<hbm>>
      %dma_wait3A_30 = tpu.memref_squeeze %dma_wait3A_29 : memref<1x80x128xi32, #tpu.memory_space<hbm>> -> memref<80x128xi32, #tpu.memory_space<hbm>>
      %dma_wait3A_31 = arith.constant 0 : i32
      %dma_wait3A_32 = arith.constant 0 : i32
      %dma_wait3A_33 = tpu.memref_slice %arg3[%add3A, %dma_wait3A_31, %dma_wait3A_32] : memref<32x80x128xi32, #tpu.memory_space<hbm>> -> memref<1x80x128xi32, #tpu.memory_space<hbm>>
      %dma_wait3A_34 = tpu.memref_squeeze %dma_wait3A_33 : memref<1x80x128xi32, #tpu.memory_space<hbm>> -> memref<80x128xi32, #tpu.memory_space<hbm>>
      tpu.wait_dma2 semaphore(%run_scoped3A : memref<!tpu.dma_semaphore, #tpu.memory_space<semaphore_mem>>) src(%dma_wait3A_34 : memref<80x128xi32, #tpu.memory_space<hbm>>) dst(%arg10 : memref<80x128xi32, #tpu.memory_space<vmem>>)
      tpu.yield
    }) : () -> ()
    "tpu.region"() ({
      %run_scoped3A = tpu.sem_alloc : memref<!tpu.dma_semaphore, #tpu.memory_space<semaphore_mem>>
      %dma_start3A = arith.constant 0 : i32
      %dma_start3A_21 = arith.constant 0 : i32
      %dma_start3A_22 = tpu.memref_slice %arg4[%add3A, %dma_start3A, %dma_start3A_21] : memref<32x80x128xi32, #tpu.memory_space<hbm>> -> memref<1x80x128xi32, #tpu.memory_space<hbm>>
      %dma_start3A_23 = tpu.memref_squeeze %dma_start3A_22 : memref<1x80x128xi32, #tpu.memory_space<hbm>> -> memref<80x128xi32, #tpu.memory_space<hbm>>
      %dma_start3A_24 = arith.constant 0 : i32
      %dma_start3A_25 = arith.constant 0 : i32
      %dma_start3A_26 = tpu.memref_slice %arg4[%add3A, %dma_start3A_24, %dma_start3A_25] : memref<32x80x128xi32, #tpu.memory_space<hbm>> -> memref<1x80x128xi32, #tpu.memory_space<hbm>>
      %dma_start3A_27 = tpu.memref_squeeze %dma_start3A_26 : memref<1x80x128xi32, #tpu.memory_space<hbm>> -> memref<80x128xi32, #tpu.memory_space<hbm>>
      tpu.enqueue_dma source(%dma_start3A_27 : memref<80x128xi32, #tpu.memory_space<hbm>>) target(%arg11 : memref<80x128xi32, #tpu.memory_space<vmem>>) target_semaphore(%run_scoped3A : memref<!tpu.dma_semaphore, #tpu.memory_space<semaphore_mem>>)
      %dma_wait3A = arith.constant 0 : i32
      %dma_wait3A_28 = arith.constant 0 : i32
      %dma_wait3A_29 = tpu.memref_slice %arg4[%add3A, %dma_wait3A, %dma_wait3A_28] : memref<32x80x128xi32, #tpu.memory_space<hbm>> -> memref<1x80x128xi32, #tpu.memory_space<hbm>>
      %dma_wait3A_30 = tpu.memref_squeeze %dma_wait3A_29 : memref<1x80x128xi32, #tpu.memory_space<hbm>> -> memref<80x128xi32, #tpu.memory_space<hbm>>
      %dma_wait3A_31 = arith.constant 0 : i32
      %dma_wait3A_32 = arith.constant 0 : i32
      %dma_wait3A_33 = tpu.memref_slice %arg4[%add3A, %dma_wait3A_31, %dma_wait3A_32] : memref<32x80x128xi32, #tpu.memory_space<hbm>> -> memref<1x80x128xi32, #tpu.memory_space<hbm>>
      %dma_wait3A_34 = tpu.memref_squeeze %dma_wait3A_33 : memref<1x80x128xi32, #tpu.memory_space<hbm>> -> memref<80x128xi32, #tpu.memory_space<hbm>>
      tpu.wait_dma2 semaphore(%run_scoped3A : memref<!tpu.dma_semaphore, #tpu.memory_space<semaphore_mem>>) src(%dma_wait3A_34 : memref<80x128xi32, #tpu.memory_space<hbm>>) dst(%arg11 : memref<80x128xi32, #tpu.memory_space<vmem>>)
      tpu.yield
    }) : () -> ()
    %barrier3A = arith.constant 0 : index
    tpu.barrier barrier_id(%barrier3A)
    %sub3A = arith.constant 80 : i32
    %sub3A_3 = arith.constant 0 : i32
    %sub3A_4 = arith.subi %sub3A, %sub3A_3 : i32
    %sub3A_5 = arith.constant 1 : i32
    %sub3A_6 = arith.constant 1 : i32
    %sub3A_7 = arith.subi %sub3A_5, %sub3A_6 : i32
    %add3A_8 = arith.addi %sub3A_4, %sub3A_7 : i32
    %div3A = arith.constant 1 : i32
    %div3A_9 = arith.divsi %add3A_8, %div3A : i32
    %while3A = arith.constant 1 : i32
    %while3A_10 = arith.constant 0 : i32
    %while3A_11 = arith.constant 0 : i32
    %while3A_12 = arith.subi %div3A_9, %while3A_11 : i32
    %while3A_13 = arith.addi %while3A_11, %while3A_12 : i32
    %while3A_14 = arith.constant 1 : i32
    %while3A_15 = arith.divsi %while3A_12, %while3A_14 : i32
    %while3A_16 = arith.muli %while3A_15, %while3A_14 : i32
    %while3A_17 = arith.addi %while3A_11, %while3A_16 : i32
    %while3A_18 = arith.constant 1 : i32
    scf.for %while3A_21 = %while3A_11 to %while3A_17 step %while3A_18  : i32 {
      %mul3A_22 = arith.muli %while3A_21, %while3A : i32
      %add3A_23 = arith.addi %while3A_10, %mul3A_22 : i32
      %dma_start3A = arith.constant 0 : i32
      %dma_start3A_24 = tpu.memref_slice %arg10[%add3A_23, %dma_start3A] : memref<80x128xi32, #tpu.memory_space<vmem>> -> memref<1x128xi32, #tpu.memory_space<vmem>>
      %dma_start3A_25 = tpu.memref_squeeze %dma_start3A_24 : memref<1x128xi32, #tpu.memory_space<vmem>> -> memref<128xi32, #tpu.memory_space<vmem>>
      %dma_start3A_26 = arith.constant 0 : i32
      %dma_start3A_27 = arith.constant 0 : i32
      %dma_start3A_28 = tpu.memref_slice %arg2[%dma_start3A_26, %dma_start3A_27] : memref<10000x128xf32, #tpu.memory_space<hbm>> -> memref<10000x128xf32, #tpu.memory_space<hbm>>
      tpu.enqueue_indirect_dma source(%dma_start3A_28 : memref<10000x128xf32, #tpu.memory_space<hbm>>) target(%arg12 : memref<128x128xf32, #tpu.memory_space<vmem>>) offsets(%dma_start3A_25 : memref<128xi32, #tpu.memory_space<vmem>>) semaphore(%arg16 : memref<!tpu.dma_semaphore, #tpu.memory_space<semaphore_mem>>)
      %dma_wait3A = arith.constant 0 : i32
      %dma_wait3A_29 = tpu.memref_slice %arg10[%add3A_23, %dma_wait3A] : memref<80x128xi32, #tpu.memory_space<vmem>> -> memref<1x128xi32, #tpu.memory_space<vmem>>
      %dma_wait3A_30 = tpu.memref_squeeze %dma_wait3A_29 : memref<1x128xi32, #tpu.memory_space<vmem>> -> memref<128xi32, #tpu.memory_space<vmem>>
      %dma_wait3A_31 = arith.constant 0 : i32
      %dma_wait3A_32 = arith.constant 0 : i32
      %dma_wait3A_33 = tpu.memref_slice %arg2[%dma_wait3A_31, %dma_wait3A_32] : memref<10000x128xf32, #tpu.memory_space<hbm>> -> memref<10000x128xf32, #tpu.memory_space<hbm>>
      tpu.wait_indirect_dma semaphore(%arg16 : memref<!tpu.dma_semaphore, #tpu.memory_space<semaphore_mem>>) src(%dma_wait3A_33 : memref<10000x128xf32, #tpu.memory_space<hbm>>) dst(%arg12 : memref<128x128xf32, #tpu.memory_space<vmem>>)
      "tpu.region"() ({
        %run_scoped3A = tpu.sem_alloc : memref<!tpu.dma_semaphore, #tpu.memory_space<semaphore_mem>>
        %dma_start3A_34 = arith.constant 0 : i32
        %dma_start3A_35 = tpu.memref_slice %arg11[%add3A_23, %dma_start3A_34] : memref<80x128xi32, #tpu.memory_space<vmem>> -> memref<1x128xi32, #tpu.memory_space<vmem>>
        %dma_start3A_36 = tpu.memref_squeeze %dma_start3A_35 : memref<1x128xi32, #tpu.memory_space<vmem>> -> memref<128xi32, #tpu.memory_space<vmem>>
        %dma_start3A_37 = arith.constant 0 : i32
        %dma_start3A_38 = arith.constant 0 : i32
        %dma_start3A_39 = tpu.memref_slice %arg14[%dma_start3A_37, %dma_start3A_38] : memref<10240x128xf32, #tpu.memory_space<vmem_shared>> -> memref<10240x128xf32, #tpu.memory_space<vmem_shared>>
        tpu.enqueue_indirect_dma source(%arg12 : memref<128x128xf32, #tpu.memory_space<vmem>>) target(%dma_start3A_39 : memref<10240x128xf32, #tpu.memory_space<vmem_shared>>) offsets(%dma_start3A_36 : memref<128xi32, #tpu.memory_space<vmem>>) semaphore(%run_scoped3A : memref<!tpu.dma_semaphore, #tpu.memory_space<semaphore_mem>>) {add = true}
        %dma_wait3A_40 = arith.constant 0 : i32
        %dma_wait3A_41 = tpu.memref_slice %arg11[%add3A_23, %dma_wait3A_40] : memref<80x128xi32, #tpu.memory_space<vmem>> -> memref<1x128xi32, #tpu.memory_space<vmem>>
        %dma_wait3A_42 = tpu.memref_squeeze %dma_wait3A_41 : memref<1x128xi32, #tpu.memory_space<vmem>> -> memref<128xi32, #tpu.memory_space<vmem>>
        %dma_wait3A_43 = arith.constant 0 : i32
        %dma_wait3A_44 = arith.constant 0 : i32
        %dma_wait3A_45 = tpu.memref_slice %arg14[%dma_wait3A_43, %dma_wait3A_44] : memref<10240x128xf32, #tpu.memory_space<vmem_shared>> -> memref<10240x128xf32, #tpu.memory_space<vmem_shared>>
        tpu.wait_indirect_dma semaphore(%run_scoped3A : memref<!tpu.dma_semaphore, #tpu.memory_space<semaphore_mem>>) src(%arg12 : memref<128x128xf32, #tpu.memory_space<vmem>>) dst(%dma_wait3A_45 : memref<10240x128xf32, #tpu.memory_space<vmem_shared>>)
        tpu.yield
      }) : () -> ()
      "tpu.region"() ({
        %run_scoped3A = tpu.sem_alloc : memref<!tpu.dma_semaphore, #tpu.memory_space<semaphore_mem>>
        %dma_start3A_34 = arith.constant 0 : i32
        %dma_start3A_35 = tpu.memref_slice %arg11[%add3A_23, %dma_start3A_34] : memref<80x128xi32, #tpu.memory_space<vmem>> -> memref<1x128xi32, #tpu.memory_space<vmem>>
        %dma_start3A_36 = tpu.memref_squeeze %dma_start3A_35 : memref<1x128xi32, #tpu.memory_space<vmem>> -> memref<128xi32, #tpu.memory_space<vmem>>
        %dma_start3A_37 = arith.constant 0 : i32
        %dma_start3A_38 = tpu.memref_slice %arg15[%dma_start3A_37] : memref<10240xf32, #tpu.memory_space<vmem_shared>> -> memref<10240xf32, #tpu.memory_space<vmem_shared>>
        tpu.enqueue_indirect_dma source(%arg13 : memref<128xf32, #tpu.memory_space<vmem>>) target(%dma_start3A_38 : memref<10240xf32, #tpu.memory_space<vmem_shared>>) offsets(%dma_start3A_36 : memref<128xi32, #tpu.memory_space<vmem>>) semaphore(%run_scoped3A : memref<!tpu.dma_semaphore, #tpu.memory_space<semaphore_mem>>) {add = true}
        %dma_wait3A_39 = arith.constant 0 : i32
        %dma_wait3A_40 = tpu.memref_slice %arg11[%add3A_23, %dma_wait3A_39] : memref<80x128xi32, #tpu.memory_space<vmem>> -> memref<1x128xi32, #tpu.memory_space<vmem>>
        %dma_wait3A_41 = tpu.memref_squeeze %dma_wait3A_40 : memref<1x128xi32, #tpu.memory_space<vmem>> -> memref<128xi32, #tpu.memory_space<vmem>>
        %dma_wait3A_42 = arith.constant 0 : i32
        %dma_wait3A_43 = tpu.memref_slice %arg15[%dma_wait3A_42] : memref<10240xf32, #tpu.memory_space<vmem_shared>> -> memref<10240xf32, #tpu.memory_space<vmem_shared>>
        tpu.wait_indirect_dma semaphore(%run_scoped3A : memref<!tpu.dma_semaphore, #tpu.memory_space<semaphore_mem>>) src(%arg13 : memref<128xf32, #tpu.memory_space<vmem>>) dst(%dma_wait3A_43 : memref<10240xf32, #tpu.memory_space<vmem_shared>>)
        tpu.yield
      }) : () -> ()
    }
    %while3A_19 = arith.constant 1 : i32
    scf.for %while3A_21 = %while3A_17 to %while3A_13 step %while3A_19  : i32 {
      %mul3A_22 = arith.muli %while3A_21, %while3A : i32
      %add3A_23 = arith.addi %while3A_10, %mul3A_22 : i32
      %dma_start3A = arith.constant 0 : i32
      %dma_start3A_24 = tpu.memref_slice %arg10[%add3A_23, %dma_start3A] : memref<80x128xi32, #tpu.memory_space<vmem>> -> memref<1x128xi32, #tpu.memory_space<vmem>>
      %dma_start3A_25 = tpu.memref_squeeze %dma_start3A_24 : memref<1x128xi32, #tpu.memory_space<vmem>> -> memref<128xi32, #tpu.memory_space<vmem>>
      %dma_start3A_26 = arith.constant 0 : i32
      %dma_start3A_27 = arith.constant 0 : i32
      %dma_start3A_28 = tpu.memref_slice %arg2[%dma_start3A_26, %dma_start3A_27] : memref<10000x128xf32, #tpu.memory_space<hbm>> -> memref<10000x128xf32, #tpu.memory_space<hbm>>
      tpu.enqueue_indirect_dma source(%dma_start3A_28 : memref<10000x128xf32, #tpu.memory_space<hbm>>) target(%arg12 : memref<128x128xf32, #tpu.memory_space<vmem>>) offsets(%dma_start3A_25 : memref<128xi32, #tpu.memory_space<vmem>>) semaphore(%arg16 : memref<!tpu.dma_semaphore, #tpu.memory_space<semaphore_mem>>)
      %dma_wait3A = arith.constant 0 : i32
      %dma_wait3A_29 = tpu.memref_slice %arg10[%add3A_23, %dma_wait3A] : memref<80x128xi32, #tpu.memory_space<vmem>> -> memref<1x128xi32, #tpu.memory_space<vmem>>
      %dma_wait3A_30 = tpu.memref_squeeze %dma_wait3A_29 : memref<1x128xi32, #tpu.memory_space<vmem>> -> memref<128xi32, #tpu.memory_space<vmem>>
      %dma_wait3A_31 = arith.constant 0 : i32
      %dma_wait3A_32 = arith.constant 0 : i32
      %dma_wait3A_33 = tpu.memref_slice %arg2[%dma_wait3A_31, %dma_wait3A_32] : memref<10000x128xf32, #tpu.memory_space<hbm>> -> memref<10000x128xf32, #tpu.memory_space<hbm>>
      tpu.wait_indirect_dma semaphore(%arg16 : memref<!tpu.dma_semaphore, #tpu.memory_space<semaphore_mem>>) src(%dma_wait3A_33 : memref<10000x128xf32, #tpu.memory_space<hbm>>) dst(%arg12 : memref<128x128xf32, #tpu.memory_space<vmem>>)
      "tpu.region"() ({
        %run_scoped3A = tpu.sem_alloc : memref<!tpu.dma_semaphore, #tpu.memory_space<semaphore_mem>>
        %dma_start3A_34 = arith.constant 0 : i32
        %dma_start3A_35 = tpu.memref_slice %arg11[%add3A_23, %dma_start3A_34] : memref<80x128xi32, #tpu.memory_space<vmem>> -> memref<1x128xi32, #tpu.memory_space<vmem>>
        %dma_start3A_36 = tpu.memref_squeeze %dma_start3A_35 : memref<1x128xi32, #tpu.memory_space<vmem>> -> memref<128xi32, #tpu.memory_space<vmem>>
        %dma_start3A_37 = arith.constant 0 : i32
        %dma_start3A_38 = arith.constant 0 : i32
        %dma_start3A_39 = tpu.memref_slice %arg14[%dma_start3A_37, %dma_start3A_38] : memref<10240x128xf32, #tpu.memory_space<vmem_shared>> -> memref<10240x128xf32, #tpu.memory_space<vmem_shared>>
        tpu.enqueue_indirect_dma source(%arg12 : memref<128x128xf32, #tpu.memory_space<vmem>>) target(%dma_start3A_39 : memref<10240x128xf32, #tpu.memory_space<vmem_shared>>) offsets(%dma_start3A_36 : memref<128xi32, #tpu.memory_space<vmem>>) semaphore(%run_scoped3A : memref<!tpu.dma_semaphore, #tpu.memory_space<semaphore_mem>>) {add = true}
        %dma_wait3A_40 = arith.constant 0 : i32
        %dma_wait3A_41 = tpu.memref_slice %arg11[%add3A_23, %dma_wait3A_40] : memref<80x128xi32, #tpu.memory_space<vmem>> -> memref<1x128xi32, #tpu.memory_space<vmem>>
        %dma_wait3A_42 = tpu.memref_squeeze %dma_wait3A_41 : memref<1x128xi32, #tpu.memory_space<vmem>> -> memref<128xi32, #tpu.memory_space<vmem>>
        %dma_wait3A_43 = arith.constant 0 : i32
        %dma_wait3A_44 = arith.constant 0 : i32
        %dma_wait3A_45 = tpu.memref_slice %arg14[%dma_wait3A_43, %dma_wait3A_44] : memref<10240x128xf32, #tpu.memory_space<vmem_shared>> -> memref<10240x128xf32, #tpu.memory_space<vmem_shared>>
        tpu.wait_indirect_dma semaphore(%run_scoped3A : memref<!tpu.dma_semaphore, #tpu.memory_space<semaphore_mem>>) src(%arg12 : memref<128x128xf32, #tpu.memory_space<vmem>>) dst(%dma_wait3A_45 : memref<10240x128xf32, #tpu.memory_space<vmem_shared>>)
        tpu.yield
      }) : () -> ()
      "tpu.region"() ({
        %run_scoped3A = tpu.sem_alloc : memref<!tpu.dma_semaphore, #tpu.memory_space<semaphore_mem>>
        %dma_start3A_34 = arith.constant 0 : i32
        %dma_start3A_35 = tpu.memref_slice %arg11[%add3A_23, %dma_start3A_34] : memref<80x128xi32, #tpu.memory_space<vmem>> -> memref<1x128xi32, #tpu.memory_space<vmem>>
        %dma_start3A_36 = tpu.memref_squeeze %dma_start3A_35 : memref<1x128xi32, #tpu.memory_space<vmem>> -> memref<128xi32, #tpu.memory_space<vmem>>
        %dma_start3A_37 = arith.constant 0 : i32
        %dma_start3A_38 = tpu.memref_slice %arg15[%dma_start3A_37] : memref<10240xf32, #tpu.memory_space<vmem_shared>> -> memref<10240xf32, #tpu.memory_space<vmem_shared>>
        tpu.enqueue_indirect_dma source(%arg13 : memref<128xf32, #tpu.memory_space<vmem>>) target(%dma_start3A_38 : memref<10240xf32, #tpu.memory_space<vmem_shared>>) offsets(%dma_start3A_36 : memref<128xi32, #tpu.memory_space<vmem>>) semaphore(%run_scoped3A : memref<!tpu.dma_semaphore, #tpu.memory_space<semaphore_mem>>) {add = true}
        %dma_wait3A_39 = arith.constant 0 : i32
        %dma_wait3A_40 = tpu.memref_slice %arg11[%add3A_23, %dma_wait3A_39] : memref<80x128xi32, #tpu.memory_space<vmem>> -> memref<1x128xi32, #tpu.memory_space<vmem>>
        %dma_wait3A_41 = tpu.memref_squeeze %dma_wait3A_40 : memref<1x128xi32, #tpu.memory_space<vmem>> -> memref<128xi32, #tpu.memory_space<vmem>>
        %dma_wait3A_42 = arith.constant 0 : i32
        %dma_wait3A_43 = tpu.memref_slice %arg15[%dma_wait3A_42] : memref<10240xf32, #tpu.memory_space<vmem_shared>> -> memref<10240xf32, #tpu.memory_space<vmem_shared>>
        tpu.wait_indirect_dma semaphore(%run_scoped3A : memref<!tpu.dma_semaphore, #tpu.memory_space<semaphore_mem>>) src(%arg13 : memref<128xf32, #tpu.memory_space<vmem>>) dst(%dma_wait3A_43 : memref<10240xf32, #tpu.memory_space<vmem_shared>>)
        tpu.yield
      }) : () -> ()
    }
    %barrier3A_20 = arith.constant 0 : index
    tpu.barrier barrier_id(%barrier3A_20)
    "tpu.region"() ({
      %run_scoped3A = tpu.sem_alloc : memref<!tpu.dma_semaphore, #tpu.memory_space<semaphore_mem>>
      %dma_start3A = arith.constant 0 : i32
      %dma_start3A_21 = arith.constant 0 : i32
      %dma_start3A_22 = tpu.memref_slice %arg8[%arg0, %dma_start3A, %dma_start3A_21] : memref<2x10240x128xf32, #tpu.memory_space<hbm>> -> memref<1x10240x128xf32, #tpu.memory_space<hbm>>
      %dma_start3A_23 = tpu.memref_squeeze %dma_start3A_22 : memref<1x10240x128xf32, #tpu.memory_space<hbm>> -> memref<10240x128xf32, #tpu.memory_space<hbm>>
      %dma_start3A_24 = arith.constant 0 : i32
      %dma_start3A_25 = tpu.memref_slice %dma_start3A_23[%mul3A_2, %dma_start3A_24] : memref<10240x128xf32, #tpu.memory_space<hbm>> -> memref<640x128xf32, #tpu.memory_space<hbm>>
      %dma_start3A_26 = arith.constant 0 : i32
      %dma_start3A_27 = tpu.memref_slice %arg14[%mul3A_2, %dma_start3A_26] : memref<10240x128xf32, #tpu.memory_space<vmem_shared>> -> memref<640x128xf32, #tpu.memory_space<vmem_shared>>
      tpu.enqueue_dma source(%dma_start3A_27 : memref<640x128xf32, #tpu.memory_space<vmem_shared>>) target(%dma_start3A_25 : memref<640x128xf32, #tpu.memory_space<hbm>>) target_semaphore(%run_scoped3A : memref<!tpu.dma_semaphore, #tpu.memory_space<semaphore_mem>>)
      %dma_wait3A = arith.constant 0 : i32
      %dma_wait3A_28 = arith.constant 0 : i32
      %dma_wait3A_29 = tpu.memref_slice %arg8[%arg0, %dma_wait3A, %dma_wait3A_28] : memref<2x10240x128xf32, #tpu.memory_space<hbm>> -> memref<1x10240x128xf32, #tpu.memory_space<hbm>>
      %dma_wait3A_30 = tpu.memref_squeeze %dma_wait3A_29 : memref<1x10240x128xf32, #tpu.memory_space<hbm>> -> memref<10240x128xf32, #tpu.memory_space<hbm>>
      %dma_wait3A_31 = arith.constant 0 : i32
      %dma_wait3A_32 = tpu.memref_slice %dma_wait3A_30[%mul3A_2, %dma_wait3A_31] : memref<10240x128xf32, #tpu.memory_space<hbm>> -> memref<640x128xf32, #tpu.memory_space<hbm>>
      %dma_wait3A_33 = arith.constant 0 : i32
      %dma_wait3A_34 = tpu.memref_slice %arg14[%mul3A_2, %dma_wait3A_33] : memref<10240x128xf32, #tpu.memory_space<vmem_shared>> -> memref<640x128xf32, #tpu.memory_space<vmem_shared>>
      tpu.wait_dma2 semaphore(%run_scoped3A : memref<!tpu.dma_semaphore, #tpu.memory_space<semaphore_mem>>) src(%dma_wait3A_34 : memref<640x128xf32, #tpu.memory_space<vmem_shared>>) dst(%dma_wait3A_32 : memref<640x128xf32, #tpu.memory_space<hbm>>)
      tpu.yield
    }) : () -> ()
    "tpu.region"() ({
      %run_scoped3A = tpu.sem_alloc : memref<!tpu.dma_semaphore, #tpu.memory_space<semaphore_mem>>
      %dma_start3A = arith.constant 0 : i32
      %dma_start3A_21 = tpu.memref_slice %arg9[%arg0, %dma_start3A] : memref<2x10240xf32, #tpu.memory_space<hbm>> -> memref<1x10240xf32, #tpu.memory_space<hbm>>
      %dma_start3A_22 = tpu.memref_squeeze %dma_start3A_21 : memref<1x10240xf32, #tpu.memory_space<hbm>> -> memref<10240xf32, #tpu.memory_space<hbm>>
      %dma_start3A_23 = tpu.memref_slice %dma_start3A_22[%mul3A_2] : memref<10240xf32, #tpu.memory_space<hbm>> -> memref<640xf32, #tpu.memory_space<hbm>>
      %dma_start3A_24 = tpu.memref_slice %arg15[%mul3A_2] : memref<10240xf32, #tpu.memory_space<vmem_shared>> -> memref<640xf32, #tpu.memory_space<vmem_shared>>
      tpu.enqueue_dma source(%dma_start3A_24 : memref<640xf32, #tpu.memory_space<vmem_shared>>) target(%dma_start3A_23 : memref<640xf32, #tpu.memory_space<hbm>>) target_semaphore(%run_scoped3A : memref<!tpu.dma_semaphore, #tpu.memory_space<semaphore_mem>>)
      %dma_wait3A = arith.constant 0 : i32
      %dma_wait3A_25 = tpu.memref_slice %arg9[%arg0, %dma_wait3A] : memref<2x10240xf32, #tpu.memory_space<hbm>> -> memref<1x10240xf32, #tpu.memory_space<hbm>>
      %dma_wait3A_26 = tpu.memref_squeeze %dma_wait3A_25 : memref<1x10240xf32, #tpu.memory_space<hbm>> -> memref<10240xf32, #tpu.memory_space<hbm>>
      %dma_wait3A_27 = tpu.memref_slice %dma_wait3A_26[%mul3A_2] : memref<10240xf32, #tpu.memory_space<hbm>> -> memref<640xf32, #tpu.memory_space<hbm>>
      %dma_wait3A_28 = tpu.memref_slice %arg15[%mul3A_2] : memref<10240xf32, #tpu.memory_space<vmem_shared>> -> memref<640xf32, #tpu.memory_space<vmem_shared>>
      tpu.wait_dma2 semaphore(%run_scoped3A : memref<!tpu.dma_semaphore, #tpu.memory_space<semaphore_mem>>) src(%dma_wait3A_28 : memref<640xf32, #tpu.memory_space<vmem_shared>>) dst(%dma_wait3A_27 : memref<640xf32, #tpu.memory_space<hbm>>)
      tpu.yield
    }) : () -> ()
    return
  }
}

#map = affine_map<(d0, d1) -> (0, 0)>
#map1 = affine_map<(d0, d1) -> (0, 0, 0)>
#map2 = affine_map<(d0, d1) -> (0)>
module attributes {stable_mosaic.version = 14 : i64} {
  func.func @_sc_segsum_body(%arg0: i32, %arg1: i32, %arg2: memref<10000x128xf32, #tpu.memory_space<hbm>>, %arg3: memref<32x80x128xi32, #tpu.memory_space<hbm>>, %arg4: memref<32x80x128xi32, #tpu.memory_space<hbm>>, %arg5: memref<640x128xf32, #tpu.memory_space<hbm>>, %arg6: memref<640xf32, #tpu.memory_space<hbm>>, %arg7: memref<128xf32, #tpu.memory_space<hbm>>, %arg8: memref<2x10240x128xf32, #tpu.memory_space<hbm>>, %arg9: memref<2x10240xf32, #tpu.memory_space<hbm>>, %arg10: memref<80x128xi32, #tpu.memory_space<vmem>>, %arg11: memref<80x128xi32, #tpu.memory_space<vmem>>, %arg12: memref<128x128xf32, #tpu.memory_space<vmem>>, %arg13: memref<128xf32, #tpu.memory_space<vmem>>, %arg14: memref<10240x128xf32, #tpu.memory_space<vmem_shared>>, %arg15: memref<10240xf32, #tpu.memory_space<vmem_shared>>, %arg16: memref<!tpu.dma_semaphore, #tpu.memory_space<semaphore_mem>>) attributes {dimension_semantics = [#tpu.dimension_semantics<core_parallel>, #tpu.dimension_semantics<subcore_parallel>], iteration_bounds = array<i64: 2, 16>, scalar_prefetch = 0 : i64, scratch_operands = 7 : i64, tpu.core_type = #tpu.core_type<sc_vector_subcore>, window_params = [{transform_indices = #map}, {transform_indices = #map1}, {transform_indices = #map1}, {transform_indices = #map}, {transform_indices = #map2}, {transform_indices = #map2}, {transform_indices = #map1}, {transform_indices = #map}]} {
    %mul3A = arith.constant 2 : i32
    %mul3A_0 = arith.muli %arg1, %mul3A : i32
    %add3A = arith.addi %mul3A_0, %arg0 : i32
    %mul3A_1 = arith.constant 640 : i32
    %mul3A_2 = arith.muli %arg1, %mul3A_1 : i32
    "tpu.region"() ({
      %run_scoped3A = tpu.sem_alloc : memref<!tpu.dma_semaphore, #tpu.memory_space<semaphore_mem>>
      %dma_start3A = arith.constant 0 : i32
      %dma_start3A_21 = tpu.memref_slice %arg14[%mul3A_2, %dma_start3A] : memref<10240x128xf32, #tpu.memory_space<vmem_shared>> -> memref<640x128xf32, #tpu.memory_space<vmem_shared>>
      tpu.enqueue_dma source(%arg5 : memref<640x128xf32, #tpu.memory_space<hbm>>) target(%dma_start3A_21 : memref<640x128xf32, #tpu.memory_space<vmem_shared>>) target_semaphore(%run_scoped3A : memref<!tpu.dma_semaphore, #tpu.memory_space<semaphore_mem>>)
      %dma_wait3A = arith.constant 0 : i32
      %dma_wait3A_22 = tpu.memref_slice %arg14[%mul3A_2, %dma_wait3A] : memref<10240x128xf32, #tpu.memory_space<vmem_shared>> -> memref<640x128xf32, #tpu.memory_space<vmem_shared>>
      tpu.wait_dma2 semaphore(%run_scoped3A : memref<!tpu.dma_semaphore, #tpu.memory_space<semaphore_mem>>) src(%arg5 : memref<640x128xf32, #tpu.memory_space<hbm>>) dst(%dma_wait3A_22 : memref<640x128xf32, #tpu.memory_space<vmem_shared>>)
      tpu.yield
    }) : () -> ()
    "tpu.region"() ({
      %run_scoped3A = tpu.sem_alloc : memref<!tpu.dma_semaphore, #tpu.memory_space<semaphore_mem>>
      %dma_start3A = tpu.memref_slice %arg15[%mul3A_2] : memref<10240xf32, #tpu.memory_space<vmem_shared>> -> memref<640xf32, #tpu.memory_space<vmem_shared>>
      tpu.enqueue_dma source(%arg6 : memref<640xf32, #tpu.memory_space<hbm>>) target(%dma_start3A : memref<640xf32, #tpu.memory_space<vmem_shared>>) target_semaphore(%run_scoped3A : memref<!tpu.dma_semaphore, #tpu.memory_space<semaphore_mem>>)
      %dma_wait3A = tpu.memref_slice %arg15[%mul3A_2] : memref<10240xf32, #tpu.memory_space<vmem_shared>> -> memref<640xf32, #tpu.memory_space<vmem_shared>>
      tpu.wait_dma2 semaphore(%run_scoped3A : memref<!tpu.dma_semaphore, #tpu.memory_space<semaphore_mem>>) src(%arg6 : memref<640xf32, #tpu.memory_space<hbm>>) dst(%dma_wait3A : memref<640xf32, #tpu.memory_space<vmem_shared>>)
      tpu.yield
    }) : () -> ()
    "tpu.region"() ({
      %run_scoped3A = tpu.sem_alloc : memref<!tpu.dma_semaphore, #tpu.memory_space<semaphore_mem>>
      tpu.enqueue_dma source(%arg7 : memref<128xf32, #tpu.memory_space<hbm>>) target(%arg13 : memref<128xf32, #tpu.memory_space<vmem>>) target_semaphore(%run_scoped3A : memref<!tpu.dma_semaphore, #tpu.memory_space<semaphore_mem>>)
      tpu.wait_dma2 semaphore(%run_scoped3A : memref<!tpu.dma_semaphore, #tpu.memory_space<semaphore_mem>>) src(%arg7 : memref<128xf32, #tpu.memory_space<hbm>>) dst(%arg13 : memref<128xf32, #tpu.memory_space<vmem>>)
      tpu.yield
    }) : () -> ()
    "tpu.region"() ({
      %run_scoped3A = tpu.sem_alloc : memref<!tpu.dma_semaphore, #tpu.memory_space<semaphore_mem>>
      %dma_start3A = arith.constant 0 : i32
      %dma_start3A_21 = arith.constant 0 : i32
      %dma_start3A_22 = tpu.memref_slice %arg3[%add3A, %dma_start3A, %dma_start3A_21] : memref<32x80x128xi32, #tpu.memory_space<hbm>> -> memref<1x80x128xi32, #tpu.memory_space<hbm>>
      %dma_start3A_23 = tpu.memref_squeeze %dma_start3A_22 : memref<1x80x128xi32, #tpu.memory_space<hbm>> -> memref<80x128xi32, #tpu.memory_space<hbm>>
      %dma_start3A_24 = arith.constant 0 : i32
      %dma_start3A_25 = arith.constant 0 : i32
      %dma_start3A_26 = tpu.memref_slice %arg3[%add3A, %dma_start3A_24, %dma_start3A_25] : memref<32x80x128xi32, #tpu.memory_space<hbm>> -> memref<1x80x128xi32, #tpu.memory_space<hbm>>
      %dma_start3A_27 = tpu.memref_squeeze %dma_start3A_26 : memref<1x80x128xi32, #tpu.memory_space<hbm>> -> memref<80x128xi32, #tpu.memory_space<hbm>>
      tpu.enqueue_dma source(%dma_start3A_27 : memref<80x128xi32, #tpu.memory_space<hbm>>) target(%arg10 : memref<80x128xi32, #tpu.memory_space<vmem>>) target_semaphore(%run_scoped3A : memref<!tpu.dma_semaphore, #tpu.memory_space<semaphore_mem>>)
      %dma_wait3A = arith.constant 0 : i32
      %dma_wait3A_28 = arith.constant 0 : i32
      %dma_wait3A_29 = tpu.memref_slice %arg3[%add3A, %dma_wait3A, %dma_wait3A_28] : memref<32x80x128xi32, #tpu.memory_space<hbm>> -> memref<1x80x128xi32, #tpu.memory_space<hbm>>
      %dma_wait3A_30 = tpu.memref_squeeze %dma_wait3A_29 : memref<1x80x128xi32, #tpu.memory_space<hbm>> -> memref<80x128xi32, #tpu.memory_space<hbm>>
      %dma_wait3A_31 = arith.constant 0 : i32
      %dma_wait3A_32 = arith.constant 0 : i32
      %dma_wait3A_33 = tpu.memref_slice %arg3[%add3A, %dma_wait3A_31, %dma_wait3A_32] : memref<32x80x128xi32, #tpu.memory_space<hbm>> -> memref<1x80x128xi32, #tpu.memory_space<hbm>>
      %dma_wait3A_34 = tpu.memref_squeeze %dma_wait3A_33 : memref<1x80x128xi32, #tpu.memory_space<hbm>> -> memref<80x128xi32, #tpu.memory_space<hbm>>
      tpu.wait_dma2 semaphore(%run_scoped3A : memref<!tpu.dma_semaphore, #tpu.memory_space<semaphore_mem>>) src(%dma_wait3A_34 : memref<80x128xi32, #tpu.memory_space<hbm>>) dst(%arg10 : memref<80x128xi32, #tpu.memory_space<vmem>>)
      tpu.yield
    }) : () -> ()
    "tpu.region"() ({
      %run_scoped3A = tpu.sem_alloc : memref<!tpu.dma_semaphore, #tpu.memory_space<semaphore_mem>>
      %dma_start3A = arith.constant 0 : i32
      %dma_start3A_21 = arith.constant 0 : i32
      %dma_start3A_22 = tpu.memref_slice %arg4[%add3A, %dma_start3A, %dma_start3A_21] : memref<32x80x128xi32, #tpu.memory_space<hbm>> -> memref<1x80x128xi32, #tpu.memory_space<hbm>>
      %dma_start3A_23 = tpu.memref_squeeze %dma_start3A_22 : memref<1x80x128xi32, #tpu.memory_space<hbm>> -> memref<80x128xi32, #tpu.memory_space<hbm>>
      %dma_start3A_24 = arith.constant 0 : i32
      %dma_start3A_25 = arith.constant 0 : i32
      %dma_start3A_26 = tpu.memref_slice %arg4[%add3A, %dma_start3A_24, %dma_start3A_25] : memref<32x80x128xi32, #tpu.memory_space<hbm>> -> memref<1x80x128xi32, #tpu.memory_space<hbm>>
      %dma_start3A_27 = tpu.memref_squeeze %dma_start3A_26 : memref<1x80x128xi32, #tpu.memory_space<hbm>> -> memref<80x128xi32, #tpu.memory_space<hbm>>
      tpu.enqueue_dma source(%dma_start3A_27 : memref<80x128xi32, #tpu.memory_space<hbm>>) target(%arg11 : memref<80x128xi32, #tpu.memory_space<vmem>>) target_semaphore(%run_scoped3A : memref<!tpu.dma_semaphore, #tpu.memory_space<semaphore_mem>>)
      %dma_wait3A = arith.constant 0 : i32
      %dma_wait3A_28 = arith.constant 0 : i32
      %dma_wait3A_29 = tpu.memref_slice %arg4[%add3A, %dma_wait3A, %dma_wait3A_28] : memref<32x80x128xi32, #tpu.memory_space<hbm>> -> memref<1x80x128xi32, #tpu.memory_space<hbm>>
      %dma_wait3A_30 = tpu.memref_squeeze %dma_wait3A_29 : memref<1x80x128xi32, #tpu.memory_space<hbm>> -> memref<80x128xi32, #tpu.memory_space<hbm>>
      %dma_wait3A_31 = arith.constant 0 : i32
      %dma_wait3A_32 = arith.constant 0 : i32
      %dma_wait3A_33 = tpu.memref_slice %arg4[%add3A, %dma_wait3A_31, %dma_wait3A_32] : memref<32x80x128xi32, #tpu.memory_space<hbm>> -> memref<1x80x128xi32, #tpu.memory_space<hbm>>
      %dma_wait3A_34 = tpu.memref_squeeze %dma_wait3A_33 : memref<1x80x128xi32, #tpu.memory_space<hbm>> -> memref<80x128xi32, #tpu.memory_space<hbm>>
      tpu.wait_dma2 semaphore(%run_scoped3A : memref<!tpu.dma_semaphore, #tpu.memory_space<semaphore_mem>>) src(%dma_wait3A_34 : memref<80x128xi32, #tpu.memory_space<hbm>>) dst(%arg11 : memref<80x128xi32, #tpu.memory_space<vmem>>)
      tpu.yield
    }) : () -> ()
    %barrier3A = arith.constant 0 : index
    tpu.barrier barrier_id(%barrier3A)
    %sub3A = arith.constant 80 : i32
    %sub3A_3 = arith.constant 0 : i32
    %sub3A_4 = arith.subi %sub3A, %sub3A_3 : i32
    %sub3A_5 = arith.constant 1 : i32
    %sub3A_6 = arith.constant 1 : i32
    %sub3A_7 = arith.subi %sub3A_5, %sub3A_6 : i32
    %add3A_8 = arith.addi %sub3A_4, %sub3A_7 : i32
    %div3A = arith.constant 1 : i32
    %div3A_9 = arith.divsi %add3A_8, %div3A : i32
    %while3A = arith.constant 1 : i32
    %while3A_10 = arith.constant 0 : i32
    %while3A_11 = arith.constant 0 : i32
    %while3A_12 = arith.subi %div3A_9, %while3A_11 : i32
    %while3A_13 = arith.addi %while3A_11, %while3A_12 : i32
    %while3A_14 = arith.constant 1 : i32
    %while3A_15 = arith.divsi %while3A_12, %while3A_14 : i32
    %while3A_16 = arith.muli %while3A_15, %while3A_14 : i32
    %while3A_17 = arith.addi %while3A_11, %while3A_16 : i32
    %while3A_18 = arith.constant 1 : i32
    scf.for %while3A_21 = %while3A_11 to %while3A_17 step %while3A_18  : i32 {
      %mul3A_22 = arith.muli %while3A_21, %while3A : i32
      %add3A_23 = arith.addi %while3A_10, %mul3A_22 : i32
      %dma_start3A = arith.constant 0 : i32
      %dma_start3A_24 = tpu.memref_slice %arg10[%add3A_23, %dma_start3A] : memref<80x128xi32, #tpu.memory_space<vmem>> -> memref<1x128xi32, #tpu.memory_space<vmem>>
      %dma_start3A_25 = tpu.memref_squeeze %dma_start3A_24 : memref<1x128xi32, #tpu.memory_space<vmem>> -> memref<128xi32, #tpu.memory_space<vmem>>
      %dma_start3A_26 = arith.constant 0 : i32
      %dma_start3A_27 = arith.constant 0 : i32
      %dma_start3A_28 = tpu.memref_slice %arg2[%dma_start3A_26, %dma_start3A_27] : memref<10000x128xf32, #tpu.memory_space<hbm>> -> memref<10000x128xf32, #tpu.memory_space<hbm>>
      tpu.enqueue_indirect_dma source(%dma_start3A_28 : memref<10000x128xf32, #tpu.memory_space<hbm>>) target(%arg12 : memref<128x128xf32, #tpu.memory_space<vmem>>) offsets(%dma_start3A_25 : memref<128xi32, #tpu.memory_space<vmem>>) semaphore(%arg16 : memref<!tpu.dma_semaphore, #tpu.memory_space<semaphore_mem>>)
      %dma_wait3A = arith.constant 0 : i32
      %dma_wait3A_29 = tpu.memref_slice %arg10[%add3A_23, %dma_wait3A] : memref<80x128xi32, #tpu.memory_space<vmem>> -> memref<1x128xi32, #tpu.memory_space<vmem>>
      %dma_wait3A_30 = tpu.memref_squeeze %dma_wait3A_29 : memref<1x128xi32, #tpu.memory_space<vmem>> -> memref<128xi32, #tpu.memory_space<vmem>>
      %dma_wait3A_31 = arith.constant 0 : i32
      %dma_wait3A_32 = arith.constant 0 : i32
      %dma_wait3A_33 = tpu.memref_slice %arg2[%dma_wait3A_31, %dma_wait3A_32] : memref<10000x128xf32, #tpu.memory_space<hbm>> -> memref<10000x128xf32, #tpu.memory_space<hbm>>
      tpu.wait_indirect_dma semaphore(%arg16 : memref<!tpu.dma_semaphore, #tpu.memory_space<semaphore_mem>>) src(%dma_wait3A_33 : memref<10000x128xf32, #tpu.memory_space<hbm>>) dst(%arg12 : memref<128x128xf32, #tpu.memory_space<vmem>>)
      "tpu.region"() ({
        %run_scoped3A = tpu.sem_alloc : memref<!tpu.dma_semaphore, #tpu.memory_space<semaphore_mem>>
        %dma_start3A_34 = arith.constant 0 : i32
        %dma_start3A_35 = tpu.memref_slice %arg11[%add3A_23, %dma_start3A_34] : memref<80x128xi32, #tpu.memory_space<vmem>> -> memref<1x128xi32, #tpu.memory_space<vmem>>
        %dma_start3A_36 = tpu.memref_squeeze %dma_start3A_35 : memref<1x128xi32, #tpu.memory_space<vmem>> -> memref<128xi32, #tpu.memory_space<vmem>>
        %dma_start3A_37 = arith.constant 0 : i32
        %dma_start3A_38 = arith.constant 0 : i32
        %dma_start3A_39 = tpu.memref_slice %arg14[%dma_start3A_37, %dma_start3A_38] : memref<10240x128xf32, #tpu.memory_space<vmem_shared>> -> memref<10240x128xf32, #tpu.memory_space<vmem_shared>>
        tpu.enqueue_indirect_dma source(%arg12 : memref<128x128xf32, #tpu.memory_space<vmem>>) target(%dma_start3A_39 : memref<10240x128xf32, #tpu.memory_space<vmem_shared>>) offsets(%dma_start3A_36 : memref<128xi32, #tpu.memory_space<vmem>>) semaphore(%run_scoped3A : memref<!tpu.dma_semaphore, #tpu.memory_space<semaphore_mem>>) {add = true}
        %dma_wait3A_40 = arith.constant 0 : i32
        %dma_wait3A_41 = tpu.memref_slice %arg11[%add3A_23, %dma_wait3A_40] : memref<80x128xi32, #tpu.memory_space<vmem>> -> memref<1x128xi32, #tpu.memory_space<vmem>>
        %dma_wait3A_42 = tpu.memref_squeeze %dma_wait3A_41 : memref<1x128xi32, #tpu.memory_space<vmem>> -> memref<128xi32, #tpu.memory_space<vmem>>
        %dma_wait3A_43 = arith.constant 0 : i32
        %dma_wait3A_44 = arith.constant 0 : i32
        %dma_wait3A_45 = tpu.memref_slice %arg14[%dma_wait3A_43, %dma_wait3A_44] : memref<10240x128xf32, #tpu.memory_space<vmem_shared>> -> memref<10240x128xf32, #tpu.memory_space<vmem_shared>>
        tpu.wait_indirect_dma semaphore(%run_scoped3A : memref<!tpu.dma_semaphore, #tpu.memory_space<semaphore_mem>>) src(%arg12 : memref<128x128xf32, #tpu.memory_space<vmem>>) dst(%dma_wait3A_45 : memref<10240x128xf32, #tpu.memory_space<vmem_shared>>)
        tpu.yield
      }) : () -> ()
      "tpu.region"() ({
        %run_scoped3A = tpu.sem_alloc : memref<!tpu.dma_semaphore, #tpu.memory_space<semaphore_mem>>
        %dma_start3A_34 = arith.constant 0 : i32
        %dma_start3A_35 = tpu.memref_slice %arg11[%add3A_23, %dma_start3A_34] : memref<80x128xi32, #tpu.memory_space<vmem>> -> memref<1x128xi32, #tpu.memory_space<vmem>>
        %dma_start3A_36 = tpu.memref_squeeze %dma_start3A_35 : memref<1x128xi32, #tpu.memory_space<vmem>> -> memref<128xi32, #tpu.memory_space<vmem>>
        %dma_start3A_37 = arith.constant 0 : i32
        %dma_start3A_38 = tpu.memref_slice %arg15[%dma_start3A_37] : memref<10240xf32, #tpu.memory_space<vmem_shared>> -> memref<10240xf32, #tpu.memory_space<vmem_shared>>
        tpu.enqueue_indirect_dma source(%arg13 : memref<128xf32, #tpu.memory_space<vmem>>) target(%dma_start3A_38 : memref<10240xf32, #tpu.memory_space<vmem_shared>>) offsets(%dma_start3A_36 : memref<128xi32, #tpu.memory_space<vmem>>) semaphore(%run_scoped3A : memref<!tpu.dma_semaphore, #tpu.memory_space<semaphore_mem>>) {add = true}
        %dma_wait3A_39 = arith.constant 0 : i32
        %dma_wait3A_40 = tpu.memref_slice %arg11[%add3A_23, %dma_wait3A_39] : memref<80x128xi32, #tpu.memory_space<vmem>> -> memref<1x128xi32, #tpu.memory_space<vmem>>
        %dma_wait3A_41 = tpu.memref_squeeze %dma_wait3A_40 : memref<1x128xi32, #tpu.memory_space<vmem>> -> memref<128xi32, #tpu.memory_space<vmem>>
        %dma_wait3A_42 = arith.constant 0 : i32
        %dma_wait3A_43 = tpu.memref_slice %arg15[%dma_wait3A_42] : memref<10240xf32, #tpu.memory_space<vmem_shared>> -> memref<10240xf32, #tpu.memory_space<vmem_shared>>
        tpu.wait_indirect_dma semaphore(%run_scoped3A : memref<!tpu.dma_semaphore, #tpu.memory_space<semaphore_mem>>) src(%arg13 : memref<128xf32, #tpu.memory_space<vmem>>) dst(%dma_wait3A_43 : memref<10240xf32, #tpu.memory_space<vmem_shared>>)
        tpu.yield
      }) : () -> ()
    }
    %while3A_19 = arith.constant 1 : i32
    scf.for %while3A_21 = %while3A_17 to %while3A_13 step %while3A_19  : i32 {
      %mul3A_22 = arith.muli %while3A_21, %while3A : i32
      %add3A_23 = arith.addi %while3A_10, %mul3A_22 : i32
      %dma_start3A = arith.constant 0 : i32
      %dma_start3A_24 = tpu.memref_slice %arg10[%add3A_23, %dma_start3A] : memref<80x128xi32, #tpu.memory_space<vmem>> -> memref<1x128xi32, #tpu.memory_space<vmem>>
      %dma_start3A_25 = tpu.memref_squeeze %dma_start3A_24 : memref<1x128xi32, #tpu.memory_space<vmem>> -> memref<128xi32, #tpu.memory_space<vmem>>
      %dma_start3A_26 = arith.constant 0 : i32
      %dma_start3A_27 = arith.constant 0 : i32
      %dma_start3A_28 = tpu.memref_slice %arg2[%dma_start3A_26, %dma_start3A_27] : memref<10000x128xf32, #tpu.memory_space<hbm>> -> memref<10000x128xf32, #tpu.memory_space<hbm>>
      tpu.enqueue_indirect_dma source(%dma_start3A_28 : memref<10000x128xf32, #tpu.memory_space<hbm>>) target(%arg12 : memref<128x128xf32, #tpu.memory_space<vmem>>) offsets(%dma_start3A_25 : memref<128xi32, #tpu.memory_space<vmem>>) semaphore(%arg16 : memref<!tpu.dma_semaphore, #tpu.memory_space<semaphore_mem>>)
      %dma_wait3A = arith.constant 0 : i32
      %dma_wait3A_29 = tpu.memref_slice %arg10[%add3A_23, %dma_wait3A] : memref<80x128xi32, #tpu.memory_space<vmem>> -> memref<1x128xi32, #tpu.memory_space<vmem>>
      %dma_wait3A_30 = tpu.memref_squeeze %dma_wait3A_29 : memref<1x128xi32, #tpu.memory_space<vmem>> -> memref<128xi32, #tpu.memory_space<vmem>>
      %dma_wait3A_31 = arith.constant 0 : i32
      %dma_wait3A_32 = arith.constant 0 : i32
      %dma_wait3A_33 = tpu.memref_slice %arg2[%dma_wait3A_31, %dma_wait3A_32] : memref<10000x128xf32, #tpu.memory_space<hbm>> -> memref<10000x128xf32, #tpu.memory_space<hbm>>
      tpu.wait_indirect_dma semaphore(%arg16 : memref<!tpu.dma_semaphore, #tpu.memory_space<semaphore_mem>>) src(%dma_wait3A_33 : memref<10000x128xf32, #tpu.memory_space<hbm>>) dst(%arg12 : memref<128x128xf32, #tpu.memory_space<vmem>>)
      "tpu.region"() ({
        %run_scoped3A = tpu.sem_alloc : memref<!tpu.dma_semaphore, #tpu.memory_space<semaphore_mem>>
        %dma_start3A_34 = arith.constant 0 : i32
        %dma_start3A_35 = tpu.memref_slice %arg11[%add3A_23, %dma_start3A_34] : memref<80x128xi32, #tpu.memory_space<vmem>> -> memref<1x128xi32, #tpu.memory_space<vmem>>
        %dma_start3A_36 = tpu.memref_squeeze %dma_start3A_35 : memref<1x128xi32, #tpu.memory_space<vmem>> -> memref<128xi32, #tpu.memory_space<vmem>>
        %dma_start3A_37 = arith.constant 0 : i32
        %dma_start3A_38 = arith.constant 0 : i32
        %dma_start3A_39 = tpu.memref_slice %arg14[%dma_start3A_37, %dma_start3A_38] : memref<10240x128xf32, #tpu.memory_space<vmem_shared>> -> memref<10240x128xf32, #tpu.memory_space<vmem_shared>>
        tpu.enqueue_indirect_dma source(%arg12 : memref<128x128xf32, #tpu.memory_space<vmem>>) target(%dma_start3A_39 : memref<10240x128xf32, #tpu.memory_space<vmem_shared>>) offsets(%dma_start3A_36 : memref<128xi32, #tpu.memory_space<vmem>>) semaphore(%run_scoped3A : memref<!tpu.dma_semaphore, #tpu.memory_space<semaphore_mem>>) {add = true}
        %dma_wait3A_40 = arith.constant 0 : i32
        %dma_wait3A_41 = tpu.memref_slice %arg11[%add3A_23, %dma_wait3A_40] : memref<80x128xi32, #tpu.memory_space<vmem>> -> memref<1x128xi32, #tpu.memory_space<vmem>>
        %dma_wait3A_42 = tpu.memref_squeeze %dma_wait3A_41 : memref<1x128xi32, #tpu.memory_space<vmem>> -> memref<128xi32, #tpu.memory_space<vmem>>
        %dma_wait3A_43 = arith.constant 0 : i32
        %dma_wait3A_44 = arith.constant 0 : i32
        %dma_wait3A_45 = tpu.memref_slice %arg14[%dma_wait3A_43, %dma_wait3A_44] : memref<10240x128xf32, #tpu.memory_space<vmem_shared>> -> memref<10240x128xf32, #tpu.memory_space<vmem_shared>>
        tpu.wait_indirect_dma semaphore(%run_scoped3A : memref<!tpu.dma_semaphore, #tpu.memory_space<semaphore_mem>>) src(%arg12 : memref<128x128xf32, #tpu.memory_space<vmem>>) dst(%dma_wait3A_45 : memref<10240x128xf32, #tpu.memory_space<vmem_shared>>)
        tpu.yield
      }) : () -> ()
      "tpu.region"() ({
        %run_scoped3A = tpu.sem_alloc : memref<!tpu.dma_semaphore, #tpu.memory_space<semaphore_mem>>
        %dma_start3A_34 = arith.constant 0 : i32
        %dma_start3A_35 = tpu.memref_slice %arg11[%add3A_23, %dma_start3A_34] : memref<80x128xi32, #tpu.memory_space<vmem>> -> memref<1x128xi32, #tpu.memory_space<vmem>>
        %dma_start3A_36 = tpu.memref_squeeze %dma_start3A_35 : memref<1x128xi32, #tpu.memory_space<vmem>> -> memref<128xi32, #tpu.memory_space<vmem>>
        %dma_start3A_37 = arith.constant 0 : i32
        %dma_start3A_38 = tpu.memref_slice %arg15[%dma_start3A_37] : memref<10240xf32, #tpu.memory_space<vmem_shared>> -> memref<10240xf32, #tpu.memory_space<vmem_shared>>
        tpu.enqueue_indirect_dma source(%arg13 : memref<128xf32, #tpu.memory_space<vmem>>) target(%dma_start3A_38 : memref<10240xf32, #tpu.memory_space<vmem_shared>>) offsets(%dma_start3A_36 : memref<128xi32, #tpu.memory_space<vmem>>) semaphore(%run_scoped3A : memref<!tpu.dma_semaphore, #tpu.memory_space<semaphore_mem>>) {add = true}
        %dma_wait3A_39 = arith.constant 0 : i32
        %dma_wait3A_40 = tpu.memref_slice %arg11[%add3A_23, %dma_wait3A_39] : memref<80x128xi32, #tpu.memory_space<vmem>> -> memref<1x128xi32, #tpu.memory_space<vmem>>
        %dma_wait3A_41 = tpu.memref_squeeze %dma_wait3A_40 : memref<1x128xi32, #tpu.memory_space<vmem>> -> memref<128xi32, #tpu.memory_space<vmem>>
        %dma_wait3A_42 = arith.constant 0 : i32
        %dma_wait3A_43 = tpu.memref_slice %arg15[%dma_wait3A_42] : memref<10240xf32, #tpu.memory_space<vmem_shared>> -> memref<10240xf32, #tpu.memory_space<vmem_shared>>
        tpu.wait_indirect_dma semaphore(%run_scoped3A : memref<!tpu.dma_semaphore, #tpu.memory_space<semaphore_mem>>) src(%arg13 : memref<128xf32, #tpu.memory_space<vmem>>) dst(%dma_wait3A_43 : memref<10240xf32, #tpu.memory_space<vmem_shared>>)
        tpu.yield
      }) : () -> ()
    }
    %barrier3A_20 = arith.constant 0 : index
    tpu.barrier barrier_id(%barrier3A_20)
    "tpu.region"() ({
      %run_scoped3A = tpu.sem_alloc : memref<!tpu.dma_semaphore, #tpu.memory_space<semaphore_mem>>
      %dma_start3A = arith.constant 0 : i32
      %dma_start3A_21 = arith.constant 0 : i32
      %dma_start3A_22 = tpu.memref_slice %arg8[%arg0, %dma_start3A, %dma_start3A_21] : memref<2x10240x128xf32, #tpu.memory_space<hbm>> -> memref<1x10240x128xf32, #tpu.memory_space<hbm>>
      %dma_start3A_23 = tpu.memref_squeeze %dma_start3A_22 : memref<1x10240x128xf32, #tpu.memory_space<hbm>> -> memref<10240x128xf32, #tpu.memory_space<hbm>>
      %dma_start3A_24 = arith.constant 0 : i32
      %dma_start3A_25 = tpu.memref_slice %dma_start3A_23[%mul3A_2, %dma_start3A_24] : memref<10240x128xf32, #tpu.memory_space<hbm>> -> memref<640x128xf32, #tpu.memory_space<hbm>>
      %dma_start3A_26 = arith.constant 0 : i32
      %dma_start3A_27 = tpu.memref_slice %arg14[%mul3A_2, %dma_start3A_26] : memref<10240x128xf32, #tpu.memory_space<vmem_shared>> -> memref<640x128xf32, #tpu.memory_space<vmem_shared>>
      tpu.enqueue_dma source(%dma_start3A_27 : memref<640x128xf32, #tpu.memory_space<vmem_shared>>) target(%dma_start3A_25 : memref<640x128xf32, #tpu.memory_space<hbm>>) target_semaphore(%run_scoped3A : memref<!tpu.dma_semaphore, #tpu.memory_space<semaphore_mem>>)
      %dma_wait3A = arith.constant 0 : i32
      %dma_wait3A_28 = arith.constant 0 : i32
      %dma_wait3A_29 = tpu.memref_slice %arg8[%arg0, %dma_wait3A, %dma_wait3A_28] : memref<2x10240x128xf32, #tpu.memory_space<hbm>> -> memref<1x10240x128xf32, #tpu.memory_space<hbm>>
      %dma_wait3A_30 = tpu.memref_squeeze %dma_wait3A_29 : memref<1x10240x128xf32, #tpu.memory_space<hbm>> -> memref<10240x128xf32, #tpu.memory_space<hbm>>
      %dma_wait3A_31 = arith.constant 0 : i32
      %dma_wait3A_32 = tpu.memref_slice %dma_wait3A_30[%mul3A_2, %dma_wait3A_31] : memref<10240x128xf32, #tpu.memory_space<hbm>> -> memref<640x128xf32, #tpu.memory_space<hbm>>
      %dma_wait3A_33 = arith.constant 0 : i32
      %dma_wait3A_34 = tpu.memref_slice %arg14[%mul3A_2, %dma_wait3A_33] : memref<10240x128xf32, #tpu.memory_space<vmem_shared>> -> memref<640x128xf32, #tpu.memory_space<vmem_shared>>
      tpu.wait_dma2 semaphore(%run_scoped3A : memref<!tpu.dma_semaphore, #tpu.memory_space<semaphore_mem>>) src(%dma_wait3A_34 : memref<640x128xf32, #tpu.memory_space<vmem_shared>>) dst(%dma_wait3A_32 : memref<640x128xf32, #tpu.memory_space<hbm>>)
      tpu.yield
    }) : () -> ()
    "tpu.region"() ({
      %run_scoped3A = tpu.sem_alloc : memref<!tpu.dma_semaphore, #tpu.memory_space<semaphore_mem>>
      %dma_start3A = arith.constant 0 : i32
      %dma_start3A_21 = tpu.memref_slice %arg9[%arg0, %dma_start3A] : memref<2x10240xf32, #tpu.memory_space<hbm>> -> memref<1x10240xf32, #tpu.memory_space<hbm>>
      %dma_start3A_22 = tpu.memref_squeeze %dma_start3A_21 : memref<1x10240xf32, #tpu.memory_space<hbm>> -> memref<10240xf32, #tpu.memory_space<hbm>>
      %dma_start3A_23 = tpu.memref_slice %dma_start3A_22[%mul3A_2] : memref<10240xf32, #tpu.memory_space<hbm>> -> memref<640xf32, #tpu.memory_space<hbm>>
      %dma_start3A_24 = tpu.memref_slice %arg15[%mul3A_2] : memref<10240xf32, #tpu.memory_space<vmem_shared>> -> memref<640xf32, #tpu.memory_space<vmem_shared>>
      tpu.enqueue_dma source(%dma_start3A_24 : memref<640xf32, #tpu.memory_space<vmem_shared>>) target(%dma_start3A_23 : memref<640xf32, #tpu.memory_space<hbm>>) target_semaphore(%run_scoped3A : memref<!tpu.dma_semaphore, #tpu.memory_space<semaphore_mem>>)
      %dma_wait3A = arith.constant 0 : i32
      %dma_wait3A_25 = tpu.memref_slice %arg9[%arg0, %dma_wait3A] : memref<2x10240xf32, #tpu.memory_space<hbm>> -> memref<1x10240xf32, #tpu.memory_space<hbm>>
      %dma_wait3A_26 = tpu.memref_squeeze %dma_wait3A_25 : memref<1x10240xf32, #tpu.memory_space<hbm>> -> memref<10240xf32, #tpu.memory_space<hbm>>
      %dma_wait3A_27 = tpu.memref_slice %dma_wait3A_26[%mul3A_2] : memref<10240xf32, #tpu.memory_space<hbm>> -> memref<640xf32, #tpu.memory_space<hbm>>
      %dma_wait3A_28 = tpu.memref_slice %arg15[%mul3A_2] : memref<10240xf32, #tpu.memory_space<vmem_shared>> -> memref<640xf32, #tpu.memory_space<vmem_shared>>
      tpu.wait_dma2 semaphore(%run_scoped3A : memref<!tpu.dma_semaphore, #tpu.memory_space<semaphore_mem>>) src(%dma_wait3A_28 : memref<640xf32, #tpu.memory_space<vmem_shared>>) dst(%dma_wait3A_27 : memref<640xf32, #tpu.memory_space<hbm>>)
      tpu.yield
    }) : () -> ()
    return
  }
}

module attributes {stable_mosaic.version = 14 : i64} {
  func.func @_pre_body(%arg0: memref<10000x128xf32, #tpu.memory_space<vmem>>, %arg1: memref<128x128xf32, #tpu.memory_space<vmem>>, %arg2: memref<1x128xf32, #tpu.memory_space<vmem>>, %arg3: memref<10000x128xf32, #tpu.memory_space<vmem>>) attributes {dimension_semantics = [], scalar_prefetch = 0 : i64, scratch_operands = 0 : i64, tpu.core_type = #tpu.core_type<tc>} {
    %get3A = arith.constant 0 : index
    %get3A_0 = arith.constant 0 : index
    %get3A_1 = vector.load %arg0[%get3A, %get3A_0] : memref<10000x128xf32, #tpu.memory_space<vmem>>, vector<10000x128xf32>
    %get3A_2 = arith.constant 0 : index
    %get3A_3 = arith.constant 0 : index
    %get3A_4 = vector.load %arg1[%get3A_2, %get3A_3] : memref<128x128xf32, #tpu.memory_space<vmem>>, vector<128x128xf32>
    %dot_general3A = arith.constant dense<0.000000e+00> : vector<10000x128xf32>
    %dot_general3A_5 = tpu.matmul %get3A_1, %get3A_4, %dot_general3A {dimension_numbers = #tpu.dot_dimension_numbers<[1], [0], [0], [1], [0, 0, 1, 1], [], []>, transpose_lhs_hint = false} : vector<10000x128xf32>, vector<128x128xf32>, vector<10000x128xf32> -> vector<10000x128xf32>
    %get3A_6 = arith.constant 0 : index
    %get3A_7 = arith.constant 0 : index
    %get3A_8 = vector.load %arg2[%get3A_6, %get3A_7] : memref<1x128xf32, #tpu.memory_space<vmem>>, vector<1x128xf32>
    %add3A = vector.broadcast %get3A_8 : vector<1x128xf32> to vector<10000x128xf32>
    %add3A_9 = arith.addf %dot_general3A_5, %add3A : vector<10000x128xf32>
    %max3A = arith.constant 0.000000e+00 : f32
    %max3A_10 = vector.broadcast %max3A : f32 to vector<10000x128xf32>
    %max3A_11 = arith.maximumf %add3A_9, %max3A_10 : vector<10000x128xf32>
    %swap3A = arith.constant 0 : index
    %swap3A_12 = arith.constant 0 : index
    %swap3A_13 = vector.load %arg3[%swap3A, %swap3A_12] : memref<10000x128xf32, #tpu.memory_space<vmem>>, vector<10000x128xf32>
    tpu.vector_store %arg3[%swap3A, %swap3A_12], %max3A_11 {strides = array<i32>} : memref<10000x128xf32, #tpu.memory_space<vmem>>, vector<10000x128xf32>,
    return
  }
}

module attributes {stable_mosaic.version = 14 : i64} {
  func.func @_combine_body(%arg0: i32, %arg1: memref<2x400x128xf32, #tpu.memory_space<vmem>>, %arg2: memref<2x400x1xf32, #tpu.memory_space<vmem>>, %arg3: memref<400x128xf32, #tpu.memory_space<vmem>>, %arg4: memref<128x128xf32, #tpu.memory_space<vmem>>, %arg5: memref<1x128xf32, #tpu.memory_space<vmem>>, %arg6: memref<128x128xf32, #tpu.memory_space<vmem>>, %arg7: memref<400x128xf32, #tpu.memory_space<vmem>>, %arg8: memref<1x128xf32, #tpu.memory_space<vmem>>) attributes {dimension_semantics = [#tpu.dimension_semantics<arbitrary>], iteration_bounds = array<i64: 25>, scalar_prefetch = 0 : i64, scratch_operands = 0 : i64, tpu.core_type = #tpu.core_type<tc>, window_params = [{transform_indices = @transform_0, window_bounds = array<i64: 2, 400, 128>}, {transform_indices = @transform_1, window_bounds = array<i64: 2, 400, 1>}, {transform_indices = @transform_2, window_bounds = array<i64: 400, 128>}, {transform_indices = @transform_3, window_bounds = array<i64: 128, 128>}, {transform_indices = @transform_4, window_bounds = array<i64: 1, 128>}, {transform_indices = @transform_5, window_bounds = array<i64: 128, 128>}, {transform_indices = @transform_6, window_bounds = array<i64: 400, 128>}, {transform_indices = @transform_7, window_bounds = array<i64: 1, 128>}]} {
    %get3A = arith.constant 0 : index
    %get3A_0 = arith.constant 0 : index
    %get3A_1 = arith.constant 0 : index
    %get3A_2 = vector.load %arg1[%get3A, %get3A_0, %get3A_1] : memref<2x400x128xf32, #tpu.memory_space<vmem>>, vector<1x400x128xf32>
    %get3A_3 = vector.shape_cast %get3A_2 : vector<1x400x128xf32> to vector<400x128xf32>
    %get3A_4 = arith.constant 1 : index
    %get3A_5 = arith.constant 0 : index
    %get3A_6 = arith.constant 0 : index
    %get3A_7 = vector.load %arg1[%get3A_4, %get3A_5, %get3A_6] : memref<2x400x128xf32, #tpu.memory_space<vmem>>, vector<1x400x128xf32>
    %get3A_8 = vector.shape_cast %get3A_7 : vector<1x400x128xf32> to vector<400x128xf32>
    %add3A = arith.addf %get3A_3, %get3A_8 : vector<400x128xf32>
    %get3A_9 = arith.constant 0 : index
    %get3A_10 = arith.constant 0 : index
    %get3A_11 = arith.constant 0 : index
    %get3A_12 = vector.load %arg2[%get3A_9, %get3A_10, %get3A_11] : memref<2x400x1xf32, #tpu.memory_space<vmem>>, vector<1x400x1xf32>
    %get3A_13 = vector.shape_cast %get3A_12 : vector<1x400x1xf32> to vector<400x1xf32>
    %get3A_14 = arith.constant 1 : index
    %get3A_15 = arith.constant 0 : index
    %get3A_16 = arith.constant 0 : index
    %get3A_17 = vector.load %arg2[%get3A_14, %get3A_15, %get3A_16] : memref<2x400x1xf32, #tpu.memory_space<vmem>>, vector<1x400x1xf32>
    %get3A_18 = vector.shape_cast %get3A_17 : vector<1x400x1xf32> to vector<400x1xf32>
    %add3A_19 = arith.addf %get3A_13, %get3A_18 : vector<400x1xf32>
    %max3A = arith.constant 1.000000e+00 : f32
    %max3A_20 = vector.broadcast %max3A : f32 to vector<400x1xf32>
    %max3A_21 = arith.maximumf %add3A_19, %max3A_20 : vector<400x1xf32>
    %div3A = arith.constant 1.000000e+00 : f32
    %div3A_22 = vector.broadcast %div3A : f32 to vector<400x1xf32>
    %div3A_23 = arith.divf %div3A_22, %max3A_21 : vector<400x1xf32>
    %mul3A = vector.broadcast %div3A_23 : vector<400x1xf32> to vector<400x128xf32>
    %mul3A_24 = arith.mulf %add3A, %mul3A : vector<400x128xf32>
    %get3A_25 = arith.constant 0 : index
    %get3A_26 = arith.constant 0 : index
    %get3A_27 = vector.load %arg4[%get3A_25, %get3A_26] : memref<128x128xf32, #tpu.memory_space<vmem>>, vector<128x128xf32>
    %dot_general3A = arith.constant dense<0.000000e+00> : vector<400x128xf32>
    %dot_general3A_28 = tpu.matmul %mul3A_24, %get3A_27, %dot_general3A {dimension_numbers = #tpu.dot_dimension_numbers<[1], [0], [0], [1], [0, 0, 1, 1], [], []>, transpose_lhs_hint = false} : vector<400x128xf32>, vector<128x128xf32>, vector<400x128xf32> -> vector<400x128xf32>
    %get3A_29 = arith.constant 0 : index
    %get3A_30 = arith.constant 0 : index
    %get3A_31 = vector.load %arg3[%get3A_29, %get3A_30] : memref<400x128xf32, #tpu.memory_space<vmem>>, vector<400x128xf32>
    %get3A_32 = arith.constant 0 : index
    %get3A_33 = arith.constant 0 : index
    %get3A_34 = vector.load %arg6[%get3A_32, %get3A_33] : memref<128x128xf32, #tpu.memory_space<vmem>>, vector<128x128xf32>
    %dot_general3A_35 = arith.constant dense<0.000000e+00> : vector<400x128xf32>
    %dot_general3A_36 = tpu.matmul %get3A_31, %get3A_34, %dot_general3A_35 {dimension_numbers = #tpu.dot_dimension_numbers<[1], [0], [0], [1], [0, 0, 1, 1], [], []>, transpose_lhs_hint = false} : vector<400x128xf32>, vector<128x128xf32>, vector<400x128xf32> -> vector<400x128xf32>
    %add3A_37 = arith.addf %dot_general3A_28, %dot_general3A_36 : vector<400x128xf32>
    %get3A_38 = arith.constant 0 : index
    %get3A_39 = arith.constant 0 : index
    %get3A_40 = vector.load %arg5[%get3A_38, %get3A_39] : memref<1x128xf32, #tpu.memory_space<vmem>>, vector<1x128xf32>
    %add3A_41 = vector.broadcast %get3A_40 : vector<1x128xf32> to vector<400x128xf32>
    %add3A_42 = arith.addf %add3A_37, %add3A_41 : vector<400x128xf32>
    %max3A_43 = arith.constant 0.000000e+00 : f32
    %max3A_44 = vector.broadcast %max3A_43 : f32 to vector<400x128xf32>
    %max3A_45 = arith.maximumf %add3A_42, %max3A_44 : vector<400x128xf32>
    %swap3A = arith.constant 0 : index
    %swap3A_46 = arith.constant 0 : index
    %swap3A_47 = vector.load %arg7[%swap3A, %swap3A_46] : memref<400x128xf32, #tpu.memory_space<vmem>>, vector<400x128xf32>
    tpu.vector_store %arg7[%swap3A, %swap3A_46], %max3A_45 {strides = array<i32>} : memref<400x128xf32, #tpu.memory_space<vmem>>, vector<400x128xf32>,
    %iota3A = tpu.iota {dimensions = array<i32: 1>} : vector<1x128xi32>
    %eq3A = arith.constant 0 : i32
    %eq3A_48 = vector.broadcast %eq3A : i32 to vector<1x128xi32>
    %eq3A_49 = arith.cmpi eq, %iota3A, %eq3A_48 : vector<1x128xi32>
    %reduce_sum3A = vector.shape_cast %max3A_45 : vector<400x128xf32> to vector<1x400x128xf32>
    %reduce_sum3A_50 = arith.constant dense<0.000000e+00> : vector<1xf32>
    %reduce_sum3A_51 = vector.multi_reduction <add>, %reduce_sum3A, %reduce_sum3A_50 [1, 2] : vector<1x400x128xf32> to vector<1xf32>
    %reduce_sum3A_52 = vector.shape_cast %reduce_sum3A_51 : vector<1xf32> to vector<1x1x1xf32>
    %reduce_sum3A_53 = vector.extract %reduce_sum3A_52[0, 0, 0] : f32 from vector<1x1x1xf32>
    %jit3A = arith.constant 0.000000e+00 : f64
    %convert_element_type3A = arith.truncf %jit3A : f64 to f32
    %broadcast_in_dim3A = vector.broadcast %reduce_sum3A_53 : f32 to vector<1x128xf32>
    %broadcast_in_dim3A_54 = vector.broadcast %convert_element_type3A : f32 to vector<1x128xf32>
    %select_n3A = arith.select %eq3A_49, %broadcast_in_dim3A, %broadcast_in_dim3A_54 : vector<1x128xi1>, vector<1x128xf32>
    %eq3A_55 = arith.constant 1 : i32
    %eq3A_56 = vector.broadcast %eq3A_55 : i32 to vector<1x128xi32>
    %eq3A_57 = arith.cmpi eq, %iota3A, %eq3A_56 : vector<1x128xi32>
    %mul3A_58 = arith.mulf %max3A_45, %max3A_45 : vector<400x128xf32>
    %reduce_sum3A_59 = vector.shape_cast %mul3A_58 : vector<400x128xf32> to vector<1x400x128xf32>
    %reduce_sum3A_60 = arith.constant dense<0.000000e+00> : vector<1xf32>
    %reduce_sum3A_61 = vector.multi_reduction <add>, %reduce_sum3A_59, %reduce_sum3A_60 [1, 2] : vector<1x400x128xf32> to vector<1xf32>
    %reduce_sum3A_62 = vector.shape_cast %reduce_sum3A_61 : vector<1xf32> to vector<1x1x1xf32>
    %reduce_sum3A_63 = vector.extract %reduce_sum3A_62[0, 0, 0] : f32 from vector<1x1x1xf32>
    %jit3A_64 = arith.constant 0.000000e+00 : f64
    %convert_element_type3A_65 = arith.truncf %jit3A_64 : f64 to f32
    %broadcast_in_dim3A_66 = vector.broadcast %reduce_sum3A_63 : f32 to vector<1x128xf32>
    %broadcast_in_dim3A_67 = vector.broadcast %convert_element_type3A_65 : f32 to vector<1x128xf32>
    %select_n3A_68 = arith.select %eq3A_57, %broadcast_in_dim3A_66, %broadcast_in_dim3A_67 : vector<1x128xi1>, vector<1x128xf32>
    %add3A_69 = arith.addf %select_n3A, %select_n3A_68 : vector<1x128xf32>
    %eq3A_70 = arith.constant 0 : i32
    %eq3A_71 = arith.cmpi eq, %arg0, %eq3A_70 : i32
    %convert_element_type3A_72 = arith.extui %eq3A_71 : i1 to i32
    %cond3A = arith.constant 0 : i32
    %cond3A_73 = arith.cmpi ne, %convert_element_type3A_72, %cond3A : i32
    scf.if %cond3A_73 {
      %broadcast_in_dim3A_81 = arith.constant 0.000000e+00 : f32
      %broadcast_in_dim3A_82 = vector.broadcast %broadcast_in_dim3A_81 : f32 to vector<1x128xf32>
      %swap3A_83 = arith.constant 0 : index
      %swap3A_84 = arith.constant 0 : index
      %swap3A_85 = vector.load %arg8[%swap3A_83, %swap3A_84] : memref<1x128xf32, #tpu.memory_space<vmem>>, vector<1x128xf32>
      tpu.vector_store %arg8[%swap3A_83, %swap3A_84], %broadcast_in_dim3A_82 {strides = array<i32>} : memref<1x128xf32, #tpu.memory_space<vmem>>, vector<1x128xf32>,
    } else {
    }
    %get3A_74 = arith.constant 0 : index
    %get3A_75 = arith.constant 0 : index
    %get3A_76 = vector.load %arg8[%get3A_74, %get3A_75] : memref<1x128xf32, #tpu.memory_space<vmem>>, vector<1x128xf32>
    %add3A_77 = arith.addf %get3A_76, %add3A_69 : vector<1x128xf32>
    %swap3A_78 = arith.constant 0 : index
    %swap3A_79 = arith.constant 0 : index
    %swap3A_80 = vector.load %arg8[%swap3A_78, %swap3A_79] : memref<1x128xf32, #tpu.memory_space<vmem>>, vector<1x128xf32>
    tpu.vector_store %arg8[%swap3A_78, %swap3A_79], %add3A_77 {strides = array<i32>} : memref<1x128xf32, #tpu.memory_space<vmem>>, vector<1x128xf32>,
    return
  }
  func.func @transform_0(%arg0: i32) -> (i32, i32, i32) {
    %mul3A = arith.constant 0 : i32
    %mul3A_0 = arith.muli %arg0, %mul3A : i32
    %mul3A_1 = arith.constant 0 : i32
    %mul3A_2 = arith.muli %arg0, %mul3A_1 : i32
    %c0_i32 = arith.constant 0 : i32
    return %mul3A_0, %arg0, %mul3A_2 : i32, i32, i32
  }
  func.func @transform_1(%arg0: i32) -> (i32, i32, i32) {
    %mul3A = arith.constant 0 : i32
    %mul3A_0 = arith.muli %arg0, %mul3A : i32
    %mul3A_1 = arith.constant 0 : i32
    %mul3A_2 = arith.muli %arg0, %mul3A_1 : i32
    %c0_i32 = arith.constant 0 : i32
    return %mul3A_0, %arg0, %mul3A_2 : i32, i32, i32
  }
  func.func @transform_2(%arg0: i32) -> (i32, i32) {
    %mul3A = arith.constant 0 : i32
    %mul3A_0 = arith.muli %arg0, %mul3A : i32
    %c0_i32 = arith.constant 0 : i32
    return %arg0, %mul3A_0 : i32, i32
  }
  func.func @transform_3(%arg0: i32) -> (i32, i32) {
    %mul3A = arith.constant 0 : i32
    %mul3A_0 = arith.muli %arg0, %mul3A : i32
    %mul3A_1 = arith.constant 0 : i32
    %mul3A_2 = arith.muli %arg0, %mul3A_1 : i32
    %c0_i32 = arith.constant 0 : i32
    return %mul3A_0, %mul3A_2 : i32, i32
  }
  func.func @transform_4(%arg0: i32) -> (i32, i32) {
    %mul3A = arith.constant 0 : i32
    %mul3A_0 = arith.muli %arg0, %mul3A : i32
    %mul3A_1 = arith.constant 0 : i32
    %mul3A_2 = arith.muli %arg0, %mul3A_1 : i32
    %c0_i32 = arith.constant 0 : i32
    return %mul3A_0, %mul3A_2 : i32, i32
  }
  func.func @transform_5(%arg0: i32) -> (i32, i32) {
    %mul3A = arith.constant 0 : i32
    %mul3A_0 = arith.muli %arg0, %mul3A : i32
    %mul3A_1 = arith.constant 0 : i32
    %mul3A_2 = arith.muli %arg0, %mul3A_1 : i32
    %c0_i32 = arith.constant 0 : i32
    return %mul3A_0, %mul3A_2 : i32, i32
  }
  func.func @transform_6(%arg0: i32) -> (i32, i32) {
    %mul3A = arith.constant 0 : i32
    %mul3A_0 = arith.muli %arg0, %mul3A : i32
    %c0_i32 = arith.constant 0 : i32
    return %arg0, %mul3A_0 : i32, i32
  }
  func.func @transform_7(%arg0: i32) -> (i32, i32) {
    %mul3A = arith.constant 0 : i32
    %mul3A_0 = arith.muli %arg0, %mul3A : i32
    %mul3A_1 = arith.constant 0 : i32
    %mul3A_2 = arith.muli %arg0, %mul3A_1 : i32
    %c0_i32 = arith.constant 0 : i32
    return %mul3A_0, %mul3A_2 : i32, i32
  }
}

module attributes {stable_mosaic.version = 14 : i64} {
  func.func @_norm_body(%arg0: memref<10000x128xf32, #tpu.memory_space<vmem>>, %arg1: memref<1x128xf32, #tpu.memory_space<vmem>>, %arg2: memref<1x128xf32, #tpu.memory_space<vmem>>, %arg3: memref<1x128xf32, #tpu.memory_space<vmem>>, %arg4: memref<10000x128xf32, #tpu.memory_space<vmem>>) attributes {dimension_semantics = [], scalar_prefetch = 0 : i64, scratch_operands = 0 : i64, tpu.core_type = #tpu.core_type<tc>} {
    %get3A = arith.constant 0 : index
    %get3A_0 = arith.constant 0 : index
    %get3A_1 = vector.load %arg1[%get3A, %get3A_0] : memref<1x128xf32, #tpu.memory_space<vmem>>, vector<1x128xf32>
    %iota3A = tpu.iota {dimensions = array<i32: 1>} : vector<1x128xi32>
    %eq3A = arith.constant 0 : i32
    %eq3A_2 = vector.broadcast %eq3A : i32 to vector<1x128xi32>
    %eq3A_3 = arith.cmpi eq, %iota3A, %eq3A_2 : vector<1x128xi32>
    %jit3A = arith.constant 0.000000e+00 : f64
    %convert_element_type3A = arith.truncf %jit3A : f64 to f32
    %broadcast_in_dim3A = vector.broadcast %convert_element_type3A : f32 to vector<1x128xf32>
    %select_n3A = arith.select %eq3A_3, %get3A_1, %broadcast_in_dim3A : vector<1x128xi1>, vector<1x128xf32>
    %reduce_sum3A = vector.shape_cast %select_n3A : vector<1x128xf32> to vector<1x1x128xf32>
    %reduce_sum3A_4 = arith.constant dense<0.000000e+00> : vector<1xf32>
    %reduce_sum3A_5 = vector.multi_reduction <add>, %reduce_sum3A, %reduce_sum3A_4 [1, 2] : vector<1x1x128xf32> to vector<1xf32>
    %reduce_sum3A_6 = vector.shape_cast %reduce_sum3A_5 : vector<1xf32> to vector<1x1x1xf32>
    %reduce_sum3A_7 = vector.extract %reduce_sum3A_6[0, 0, 0] : f32 from vector<1x1x1xf32>
    %eq3A_8 = arith.constant 1 : i32
    %eq3A_9 = vector.broadcast %eq3A_8 : i32 to vector<1x128xi32>
    %eq3A_10 = arith.cmpi eq, %iota3A, %eq3A_9 : vector<1x128xi32>
    %jit3A_11 = arith.constant 0.000000e+00 : f64
    %convert_element_type3A_12 = arith.truncf %jit3A_11 : f64 to f32
    %broadcast_in_dim3A_13 = vector.broadcast %convert_element_type3A_12 : f32 to vector<1x128xf32>
    %select_n3A_14 = arith.select %eq3A_10, %get3A_1, %broadcast_in_dim3A_13 : vector<1x128xi1>, vector<1x128xf32>
    %reduce_sum3A_15 = vector.shape_cast %select_n3A_14 : vector<1x128xf32> to vector<1x1x128xf32>
    %reduce_sum3A_16 = arith.constant dense<0.000000e+00> : vector<1xf32>
    %reduce_sum3A_17 = vector.multi_reduction <add>, %reduce_sum3A_15, %reduce_sum3A_16 [1, 2] : vector<1x1x128xf32> to vector<1xf32>
    %reduce_sum3A_18 = vector.shape_cast %reduce_sum3A_17 : vector<1xf32> to vector<1x1x1xf32>
    %reduce_sum3A_19 = vector.extract %reduce_sum3A_18[0, 0, 0] : f32 from vector<1x1x1xf32>
    %div3A = arith.constant 1.280000e+06 : f32
    %div3A_20 = arith.divf %reduce_sum3A_7, %div3A : f32
    %div3A_21 = arith.constant 1.280000e+06 : f32
    %div3A_22 = arith.divf %reduce_sum3A_19, %div3A_21 : f32
    %mul3A = arith.mulf %div3A_20, %div3A_20 : f32
    %sub3A = arith.subf %div3A_22, %mul3A : f32
    %add3A = arith.constant 9.99999974E-6 : f32
    %add3A_23 = arith.addf %sub3A, %add3A : f32
    %rsqrt3A = math.rsqrt %add3A_23 : f32
    %get3A_24 = arith.constant 0 : index
    %get3A_25 = arith.constant 0 : index
    %get3A_26 = vector.load %arg0[%get3A_24, %get3A_25] : memref<10000x128xf32, #tpu.memory_space<vmem>>, vector<10000x128xf32>
    %sub3A_27 = vector.broadcast %div3A_20 : f32 to vector<10000x128xf32>
    %sub3A_28 = arith.subf %get3A_26, %sub3A_27 : vector<10000x128xf32>
    %mul3A_29 = vector.broadcast %rsqrt3A : f32 to vector<10000x128xf32>
    %mul3A_30 = arith.mulf %sub3A_28, %mul3A_29 : vector<10000x128xf32>
    %get3A_31 = arith.constant 0 : index
    %get3A_32 = arith.constant 0 : index
    %get3A_33 = vector.load %arg2[%get3A_31, %get3A_32] : memref<1x128xf32, #tpu.memory_space<vmem>>, vector<1x128xf32>
    %mul3A_34 = vector.broadcast %get3A_33 : vector<1x128xf32> to vector<10000x128xf32>
    %mul3A_35 = arith.mulf %mul3A_30, %mul3A_34 : vector<10000x128xf32>
    %get3A_36 = arith.constant 0 : index
    %get3A_37 = arith.constant 0 : index
    %get3A_38 = vector.load %arg3[%get3A_36, %get3A_37] : memref<1x128xf32, #tpu.memory_space<vmem>>, vector<1x128xf32>
    %add3A_39 = vector.broadcast %get3A_38 : vector<1x128xf32> to vector<10000x128xf32>
    %add3A_40 = arith.addf %mul3A_35, %add3A_39 : vector<10000x128xf32>
    %swap3A = arith.constant 0 : index
    %swap3A_41 = arith.constant 0 : index
    %swap3A_42 = vector.load %arg4[%swap3A, %swap3A_41] : memref<10000x128xf32, #tpu.memory_space<vmem>>, vector<10000x128xf32>
    tpu.vector_store %arg4[%swap3A, %swap3A_41], %add3A_40 {strides = array<i32>} : memref<10000x128xf32, #tpu.memory_space<vmem>>, vector<10000x128xf32>,
    return
  }
}

module attributes {stable_mosaic.version = 14 : i64} {
  func.func @_norm_body(%arg0: memref<10000x128xf32, #tpu.memory_space<vmem>>, %arg1: memref<1x128xf32, #tpu.memory_space<vmem>>, %arg2: memref<1x128xf32, #tpu.memory_space<vmem>>, %arg3: memref<1x128xf32, #tpu.memory_space<vmem>>, %arg4: memref<10000x128xf32, #tpu.memory_space<vmem>>) attributes {dimension_semantics = [], scalar_prefetch = 0 : i64, scratch_operands = 0 : i64, tpu.core_type = #tpu.core_type<tc>} {
    %get3A = arith.constant 0 : index
    %get3A_0 = arith.constant 0 : index
    %get3A_1 = vector.load %arg1[%get3A, %get3A_0] : memref<1x128xf32, #tpu.memory_space<vmem>>, vector<1x128xf32>
    %iota3A = tpu.iota {dimensions = array<i32: 1>} : vector<1x128xi32>
    %eq3A = arith.constant 0 : i32
    %eq3A_2 = vector.broadcast %eq3A : i32 to vector<1x128xi32>
    %eq3A_3 = arith.cmpi eq, %iota3A, %eq3A_2 : vector<1x128xi32>
    %jit3A = arith.constant 0.000000e+00 : f64
    %convert_element_type3A = arith.truncf %jit3A : f64 to f32
    %broadcast_in_dim3A = vector.broadcast %convert_element_type3A : f32 to vector<1x128xf32>
    %select_n3A = arith.select %eq3A_3, %get3A_1, %broadcast_in_dim3A : vector<1x128xi1>, vector<1x128xf32>
    %reduce_sum3A = vector.shape_cast %select_n3A : vector<1x128xf32> to vector<1x1x128xf32>
    %reduce_sum3A_4 = arith.constant dense<0.000000e+00> : vector<1xf32>
    %reduce_sum3A_5 = vector.multi_reduction <add>, %reduce_sum3A, %reduce_sum3A_4 [1, 2] : vector<1x1x128xf32> to vector<1xf32>
    %reduce_sum3A_6 = vector.shape_cast %reduce_sum3A_5 : vector<1xf32> to vector<1x1x1xf32>
    %reduce_sum3A_7 = vector.extract %reduce_sum3A_6[0, 0, 0] : f32 from vector<1x1x1xf32>
    %eq3A_8 = arith.constant 1 : i32
    %eq3A_9 = vector.broadcast %eq3A_8 : i32 to vector<1x128xi32>
    %eq3A_10 = arith.cmpi eq, %iota3A, %eq3A_9 : vector<1x128xi32>
    %jit3A_11 = arith.constant 0.000000e+00 : f64
    %convert_element_type3A_12 = arith.truncf %jit3A_11 : f64 to f32
    %broadcast_in_dim3A_13 = vector.broadcast %convert_element_type3A_12 : f32 to vector<1x128xf32>
    %select_n3A_14 = arith.select %eq3A_10, %get3A_1, %broadcast_in_dim3A_13 : vector<1x128xi1>, vector<1x128xf32>
    %reduce_sum3A_15 = vector.shape_cast %select_n3A_14 : vector<1x128xf32> to vector<1x1x128xf32>
    %reduce_sum3A_16 = arith.constant dense<0.000000e+00> : vector<1xf32>
    %reduce_sum3A_17 = vector.multi_reduction <add>, %reduce_sum3A_15, %reduce_sum3A_16 [1, 2] : vector<1x1x128xf32> to vector<1xf32>
    %reduce_sum3A_18 = vector.shape_cast %reduce_sum3A_17 : vector<1xf32> to vector<1x1x1xf32>
    %reduce_sum3A_19 = vector.extract %reduce_sum3A_18[0, 0, 0] : f32 from vector<1x1x1xf32>
    %div3A = arith.constant 1.280000e+06 : f32
    %div3A_20 = arith.divf %reduce_sum3A_7, %div3A : f32
    %div3A_21 = arith.constant 1.280000e+06 : f32
    %div3A_22 = arith.divf %reduce_sum3A_19, %div3A_21 : f32
    %mul3A = arith.mulf %div3A_20, %div3A_20 : f32
    %sub3A = arith.subf %div3A_22, %mul3A : f32
    %add3A = arith.constant 9.99999974E-6 : f32
    %add3A_23 = arith.addf %sub3A, %add3A : f32
    %rsqrt3A = math.rsqrt %add3A_23 : f32
    %get3A_24 = arith.constant 0 : index
    %get3A_25 = arith.constant 0 : index
    %get3A_26 = vector.load %arg0[%get3A_24, %get3A_25] : memref<10000x128xf32, #tpu.memory_space<vmem>>, vector<10000x128xf32>
    %sub3A_27 = vector.broadcast %div3A_20 : f32 to vector<10000x128xf32>
    %sub3A_28 = arith.subf %get3A_26, %sub3A_27 : vector<10000x128xf32>
    %mul3A_29 = vector.broadcast %rsqrt3A : f32 to vector<10000x128xf32>
    %mul3A_30 = arith.mulf %sub3A_28, %mul3A_29 : vector<10000x128xf32>
    %get3A_31 = arith.constant 0 : index
    %get3A_32 = arith.constant 0 : index
    %get3A_33 = vector.load %arg2[%get3A_31, %get3A_32] : memref<1x128xf32, #tpu.memory_space<vmem>>, vector<1x128xf32>
    %mul3A_34 = vector.broadcast %get3A_33 : vector<1x128xf32> to vector<10000x128xf32>
    %mul3A_35 = arith.mulf %mul3A_30, %mul3A_34 : vector<10000x128xf32>
    %get3A_36 = arith.constant 0 : index
    %get3A_37 = arith.constant 0 : index
    %get3A_38 = vector.load %arg3[%get3A_36, %get3A_37] : memref<1x128xf32, #tpu.memory_space<vmem>>, vector<1x128xf32>
    %add3A_39 = vector.broadcast %get3A_38 : vector<1x128xf32> to vector<10000x128xf32>
    %add3A_40 = arith.addf %mul3A_35, %add3A_39 : vector<10000x128xf32>
    %swap3A = arith.constant 0 : index
    %swap3A_41 = arith.constant 0 : index
    %swap3A_42 = vector.load %arg4[%swap3A, %swap3A_41] : memref<10000x128xf32, #tpu.memory_space<vmem>>, vector<10000x128xf32>
    tpu.vector_store %arg4[%swap3A, %swap3A_41], %add3A_40 {strides = array<i32>} : memref<10000x128xf32, #tpu.memory_space<vmem>>, vector<10000x128xf32>,
    return
  }
}

</mosaic_0001>

<sc_bundles>
// kernel: kernel.12.cloned.1.call-start
scs
__scs_entry_jumppad:
0x0: {  	(pc) =	sbr.rel $0x88, $3  }
0x1: {  	(tag) =	ssettag $0x0;
	lr =	simm.s32 $0x1  }
0x2: {  	[smem:$0x3F92] =	sst lr;
	_ =	strace $0xD0000000  }
0x3: {  	_ = 	snop  }
0x4: {  	_ = 	snop  }
0x5: {  	_ = 	snop  }
0x6: {  	_ = 	snop  }
0x7: {  	_ = 	snop  }
__scs_overlays_trampoline_lowered:
0x8: {  	[smem:$0x3FA1] =	sst s0  }
0x9: {  	[smem:$0x3FA2] =	sst s1  }
0xa: {  	[smem:$0x3FA3] =	sst s2  }
0xb: {  	[smem:$0x3FA4] =	sst s3  }
0xc: {  	[smem:$0x3FA5] =	sst s4  }
0xd: {  	[smem:$0x3FA6] =	sst s5  }
0xe: {  	[smem:$0x3FA7] =	sst s6  }
0xf: {  	[smem:$0x3FA8] =	sst s7  }
0x10: {  	[smem:$0x3FA9] =	sst s8  }
0x11: {  	[smem:$0x3FAA] =	sst s9;
	s0 =	simm.s32 @!p0 $0x0  }
0x12: {  	s1 =	sld [smem:$0x3F90];
	s0 =	simm.s32 @p0 $0x1  }
0x13: {  	[smem:$0x3FAB] =	sst s0;
	s0 =	simm.s32 @!p1 $0x0  }
0x14: {  	s2 =	sld [smem:$0x3F8F];
	s0 =	simm.s32 @p1 $0x1  }
0x15: {  	[smem:$0x3FAC] =	sst s0;
	s0 =	simm.s32 @!p2 $0x0  }
0x16: {  	s3 =	sld [smem:$0x3FDB];
	s0 =	simm.s32 @p2 $0x1  }
0x17: {  	s4 =	simm.s32 $0x1BF5;
	[smem:$0x3FAE] =	sst s0  }
0x18: {  	s0 =	sld [smem:$0x3F91];
	_ =	swait.ge [sflag:s4], $0x0  }
0x19: {  	s7 =	sld [smem:$0x3F92]  }
0x1a: {  	s8 =	sadd.s32 $0xFFFFE003, lr  }
0x1b: {  	s9 =	sadd.s32 $0xFFFFFEF7, lr;
	s5 =	simm.s32 $0xFFFFFFFF;
	p2 =	slt.u32 s8, $0xFFFFF086  }
0x1c: {  	p1 =	slt.u32 s9, $0xF7A;
	s5 =	simm.s32 @!p2 $0x0  }
0x1d: {  	s5 =	simm.s32 @p1 $0x1;
	p0 =	seq.s32 s7, s2  }
0x1e: {  	s7 =	smul.u32 @!p0 $0xF7A, s2;
	p2 =	seq.s32 @!p0 s5, $0x0  }
0x1f: {  	s9 =	smul.u32 $0xF7A, s1;
	s8 =	simm.s32 @!p0 $0x1BF5;
	p2 =	por !p2, p0  }
0x20: {  	[sflag:s8] =	ssyncset.s32 @!p0 $0xFFFFF086;
	s6 =	sadd.s32 @!p0 s3, s7;
	s7 =	simm.s32 @!p0 $0x108  }
0x21: {  	s3 =	sadd.s32 s3, s9;
	s6 =	sadd.s32 @!p0 $0x88, s6;
	s7 =	simm.s32 @p2 $0x1082  }
0x22: {  	[simem:s7], [sflag:s8] =	dma.local @!p0 [hbm:s6], $0xF7A  }
0x23: {  	s9 =	sor.u32 $0xD0000000, s2;
	s6 =	simm.s32 $0x108;
	_ =	swait.ge @!p0 [sflag:s8], $0x0  }
0x24: {  	s3 =	sadd.s32 $0x88, s3;
	s6 =	simm.s32 @!p1 $0x1082;
	[sflag:s4] =	ssyncset.s32 $0xFFFFF086  }
0x25: {  	[simem:s6], [sflag:s4] =	dma.local [hbm:s3], $0xF7A  }
0x26: {  	[smem:$0x3F92] =	sst s1;
	(tag) =	ssettag s2;
	_ =	strace s9  }
0x27: {  	s1 =	sld [smem:$0x3FA2]  }
0x28: {  	s2 =	sld [smem:$0x3FA3]  }
0x29: {  	s4 =	sld [smem:$0x3FA5]  }
0x2a: {  	p0 =	seq.s32 s5, $0x0;
	s5 =	sld [smem:$0x3FA6]  }
0x2b: {  	s6 =	sld [smem:$0x3FA7]  }
0x2c: {  	s7 =	sld [smem:$0x3FA8]  }
0x2d: {  	s3 =	simm.s32 $0x108;
	s8 =	sld [smem:$0x3FA9]  }
0x2e: {  	s3 =	simm.s32 @!p0 $0x1082;
	s9 =	sld [smem:$0x3FAA]  }
0x2f: {  	lr =	sadd.s32 s0, s3;
	s0 =	sld [smem:$0x3FA1]  }
0x30: {  	s3 =	sld [smem:$0x3FA4]  }
0x31: {  	[smem:$0x3FAD] =	sst s10  }
0x32: {  	s10 =	sld [smem:$0x3FAB];
	_ =	sdelay $0x3  }
0x33: {  	p0 =	seq.s32 s10, $0x1;
	s10 =	sld [smem:$0x3FAD];
	_ =	sdelay $0x3  }
0x34: {  	[smem:$0x3FAD] =	sst s10  }
0x35: {  	s10 =	sld [smem:$0x3FAC];
	_ =	sdelay $0x3  }
0x36: {  	p1 =	seq.s32 s10, $0x1;
	s10 =	sld [smem:$0x3FAD];
	_ =	sdelay $0x3  }
0x37: {  	[smem:$0x3FAD] =	sst s10  }
0x38: {  	s10 =	sld [smem:$0x3FAE]  }
0x39: {  	_ = 	snop;
	(pc) =	sbr.ind lr, $3  }
0x3a: {  	_ = 	snop  }
0x3b: {  	_ = 	snop  }
0x3c: {  	p2 =	seq.s32 s10, $0x1;
	s10 =	sld [smem:$0x3FAD]  }
0x3d: {  	_ =	shalt  }
0x3e: {  	_ =	shalt  }
0x3f: {  	_ =	shalt  }
0x40: {  	_ =	shalt  }
0x41: {  	_ =	shalt  }
0x42: {  	_ =	shalt  }
0x43: {  	_ =	shalt  }
0x44: {  	_ =	shalt  }
0x45: {  	_ =	shalt  }
0x46: {  	_ =	shalt  }
0x47: {  	_ =	shalt  }
0x48: {  	_ =	shalt  }
0x49: {  	_ =	shalt  }
0x4a: {  	_ =	shalt  }
0x4b: {  	_ =	shalt  }
0x4c: {  	_ =	shalt  }
0x4d: {  	_ =	shalt  }
0x4e: {  	_ =	shalt  }
0x4f: {  	_ =	shalt  }
0x50: {  	_ =	shalt  }
0x51: {  	_ =	shalt  }
0x52: {  	_ =	shalt  }
0x53: {  	_ =	shalt  }
0x54: {  	_ =	shalt  }
0x55: {  	_ =	shalt  }
0x56: {  	_ =	shalt  }
0x57: {  	_ =	shalt  }
0x58: {  	_ =	shalt  }
0x59: {  	_ =	shalt  }
0x5a: {  	_ =	shalt  }
0x5b: {  	_ =	shalt  }
0x5c: {  	_ =	shalt  }
0x5d: {  	_ =	shalt  }
0x5e: {  	_ =	shalt  }
0x5f: {  	_ =	shalt  }
0x60: {  	_ =	shalt  }
0x61: {  	_ =	shalt  }
0x62: {  	_ =	shalt  }
0x63: {  	_ =	shalt  }
0x64: {  	_ =	shalt  }
0x65: {  	_ =	shalt  }
0x66: {  	_ =	shalt  }
0x67: {  	_ =	shalt  }
0x68: {  	_ =	shalt  }
0x69: {  	_ =	shalt  }
0x6a: {  	_ =	shalt  }
0x6b: {  	_ =	shalt  }
0x6c: {  	_ =	shalt  }
0x6d: {  	_ =	shalt  }
0x6e: {  	_ =	shalt  }
0x6f: {  	_ =	shalt  }
0x70: {  	_ =	shalt  }
0x71: {  	_ =	shalt  }
0x72: {  	_ =	shalt  }
0x73: {  	_ =	shalt  }
0x74: {  	_ =	shalt  }
0x75: {  	_ =	shalt  }
0x76: {  	_ =	shalt  }
0x77: {  	_ =	shalt  }
0x78: {  	_ =	shalt  }
0x79: {  	_ =	shalt  }
0x7a: {  	_ =	shalt  }
0x7b: {  	_ =	shalt  }
0x7c: {  	_ =	shalt  }
0x7d: {  	_ =	shalt  }
0x7e: {  	_ =	shalt  }
0x7f: {  	_ =	shalt  }
0x80: {  	_ =	shalt  }
0x81: {  	_ =	shalt  }
0x82: {  	_ =	shalt  }
0x83: {  	_ =	shalt  }
0x84: {  	_ =	shalt  }
0x85: {  	_ =	shalt  }
0x86: {  	_ =	shalt  }
0x87: {  	_ =	shalt  }
.Lfunc_end0:
.L_simem_size_0:
called_computation_lowered:
.L_overlay_start_0:
0x88: {  	s2 =	sld [smem:$0x3FD9]  }
0x89: {  	s3 =	sld [smem:$0x3FFE];
	_ =	sdelay $0x1  }
0x8a: {  	s1 =	srdreg.scid  }
0x8b: {  	s0 =	sand.u32 $0x1, s1  }
0x8c: {  	s17 =	sshll.u32 s0, $0xA;
	s2 =	sadd.s32 s3, s2  }
0x8d: {  	s2 =	sadd.s32 s2, s17  }
0x8e: {  	[smem:$0x3FB9] =	sst s2  }
0x8f: {  	_ = 	snop  }
0x90: {  	s2 =	sld [smem:$0x3FD0];
	(tm) =	ssettm $0x1  }
0x91: {  	s18 =	sld [smem:$0x3FFB];
	_ =	sdelay $0x3  }
0x92: {  	_ =	strace s18  }
0x93: {  	s3 =	sld [smem:$0x3FFC];
	_ =	sdelay $0x3  }
0x94: {  	_ =	strace s3  }
0x95: {  	s3 =	sld [smem:$0x3FFD];
	_ =	sdelay $0x3  }
0x96: {  	_ =	strace s3  }
0x97: {  	_ =	strace $0x8FFFFFFF  }
0x98: {  	s19 =	sld [smem:$0x3FDB];
	_ =	sdelay $0x1  }
0x99: {  	s4 =	simm.s32 $_scs_section_size  }
0x9a: {  	s5 =	simm.s32 $_size__tile_overlayer_lowered;
	s6 =	simm.s32 $_tile_overlayer_lowered  }
0x9b: {  	s22 =	simm.s32 $0x1BFF;
	s21 =	sshll.u32 s6, $0x1;
	s3 =	sadd.s32 s4, s19  }
0x9c: {  	s7 =	simm.s32 $0x0;
	s20 =	sshll.u32 s5, $0x1;
	s5 =	sadd.s32 s21, s3  }
0x9d: {  	[timem:s7], [sflag:s22] =	dma.local [hbm:s5], s20  }
0x9e: {  	_ =	swait.ge [sflag:s22], s20  }
0x9f: {  	s4 =	ssub.s32 $0x0, s20;
	[sflag:s22] =	ssyncset.done $0x0  }
0xa0: {  	[sflag:s22] =	ssyncadd.s32 s4;
	_ =	sdelay $0x1  }
0xa1: {  	s23 =	simm.s32 $0x1B8B  }
0xa2: {  	_ =	swait.ge [sflag:s23], $0x1  }
0xa3: {  	[sflag:s23] =	ssyncset.done $0x0  }
0xa4: {  	s25 =	simm.s32 $0x1B8E;
	s24 =	sld [smem:$0x3FFE];
	[sflag:s23] =	ssyncadd.s32 $0xFFFFFFFF  }
0xa5: {  	s26 =	simm.s32 $execute0_lowered;
	[smem:$0x3FD2] =	sst s25  }
0xa6: {  	s5 =	sshll.u32 s26, $0x1;
	_ =	strace $0x80000046;
	[dreg:$0x1] =	wrdreg $0xFFFFFFFF  }
0xa7: {  	s28 =	simm.s32 $_size_execute0_lowered;
	s3 =	sadd.s32 s3, s5;
	[dreg:$0x0] =	wrdreg $0x0  }
0xa8: {  	s5 =	sshll.u32 s28, $0x1;
	[dreg:$0x2] =	wrdreg s3  }
0xa9: {  	[dreg:$0x3] =	wrdreg s5  }
0xaa: {  	[dreg:$0x4] =	wrdreg $0xC0  }
0xab: {  	_ =	task [dreg:s7], $0x5FFFF  }
0xac: {  	[dreg:$0x1] =	wrdreg $0xFFFFFFFF  }
0xad: {  	[dreg:$0x0] =	wrdreg $0x60  }
0xae: {  	[dreg:$0x2] =	wrdreg s2  }
0xaf: {  	[dreg:$0x3] =	wrdreg s24  }
0xb0: {  	[dreg:$0x4] =	wrdreg $0x90800  }
0xb1: {  	[dreg:$0x5] =	wrdreg $0x1D0800  }
0xb2: {  	[dreg:$0x6] =	wrdreg $0x9  }
0xb3: {  	_ =	task.clear_ibuf [dreg:s7], $0x7FFFF;
	_ =	strace $0x90000046  }
0xb4: {  	s29 =	simm.s32 $0x9;
	_ =	strace $0x80000048  }
0xb5: {  	_ =	swait.ge [sflag:s29], $0x1  }
0xb6: {  	[sflag:s29] =	ssyncadd.s32 $0xFFFFFFFF  }
0xb7: {  	_ =	strace $0x90000048  }
0xb8: {  	_ =	sfence  }
0xb9: {  	s30 =	sld [smem:$0x0];
	_ =	sdelay $0x2  }
0xba: {  	s31 =	sshll.u32 s1, $0xD;
	s1 =	sshrl.u32 s1, $0x2  }
0xbb: {  	s3 =	sand.u32 $0x4000, s31;
	s1 =	sadd.s32 s1, s30  }
0xbc: {  	s0 =	sor.u32 s3, s0;
	s1 =	sshll.u32 s1, $0x11  }
0xbd: {  	s0 =	sor.u32 s1, s0  }
0xbe: {  	s0 =	sadd.s32 $0x8F2B, s0  }
0xbf: {  	[sflag:s0] =	ssyncadd.remote.s32 $0x1  }
0xc0: {  	_ =	sfence.sel $0xFFFF  }
0xc1: {  	[dreg:$0x0] =	wrdreg $0xFFFFFFFF;
	(pc) =	sbr.abs _section_cstart, $3  }
0xc2: {  	[dreg:$0x1] =	wrdreg $0xFFFFFFFF  }
0xc3: {  	_ =	task.clear_ibuf [dreg:s7], $0x2FFFF;
	_ =	strace $0x9FFFFFFF  }
0xc4: {  	(tm) =	ssettm $0x7FFFFFFF  }
0xc5: {  	_ =	shalt  }
tec
execute0_lowered:
.L_overlay_start_1:
0x0: {  	(tag) =	ssettag $0x1  }
0x1: {  	s1 =	rddreg [dreg:$0x0]  }
0x2: {  	s9 =	rddreg [dreg:$0x1];
	s2 =	srdreg.scid  }
0x3: {  	s0 =	stileid.u32;
	s3 =	rddreg [dreg:$0x2]  }
0x4: {  	s4 =	rddreg [dreg:$0x3];
	s5 =	simm.s32 $0x0;
	s18 =	simm.s32 $0x80  }
0x5: {  	s19 =	simm.s32 $0x5000;
	s20 =	simm.s32 $0x1;
	s10 =	sand.u32 $0x1, s2  }
0x6: {  	s24 =	sshll.u32 s0, $0x1;
	s2 =	rddreg [dreg:$0x4];
	s14 =	smul.u32 $0x50000, s0  }
0x7: {  	[smem:$0x7FF] =	sst s5;
	s7 =	sadd.s32 $0x18C00, s9;
	s28 =	smul.u32 $0xA00, s0  }
0x8: {  	s8 =	sadd.s32 $0x18A00, s9;
	s30 =	sshll.u32 s0, $0x6;
	s22 =	smul.u32 $0x2800, s0  }
0x9: {  	s6 =	sor.u32 s10, s24;
	s11 =	smul.u32 $0x28000, s10;
	_ =	strace $0x80000047  }
0xa: {  	s25 =	sshll.u32 s10, $0x4;
	s10 =	ssub.s32 $0x2, s10;
	s24 =	smul.u32 $0xA0, s0  }
0xb: {  	s6 =	smul.u32 $0x500, s6;
	s15 =	sadd.s32 s25, s9;
	s26 =	sshrl.u32 s10, $0x1  }
0xc: {  	s29 =	sshrl.u32 s14, $0x2;
	s31 =	sshrl.u32 s28, $0x2;
	s25 =	simm.s32 $0x0  }
0xd: {  	s13 =	sadd.s32 s11, s9;
	s16 =	ssub.s32 s10, s26;
	s14 =	sadd.s32 s29, s3  }
0xe: {  	s17 =	sadd.s32 s31, s4;
	s23 =	sadd.s32 $0x1B600, s15;
	s12 =	sadd.s32 s6, s9  }
0xf: {  	s6 =	sadd.s32 $0x18E00, s9;
	s9 =	sor.u32 $0x1C02, s30;
	s21 =	sadd.s32 $0x1C000, s13  }
0x10: {  	s13 =	sshrl.u32 s14, $0x3;
	s14 =	simm.s32 $0x2;
	s15 =	sshrl.u32 s17, $0x3  }
0x11: {  	s17 =	simm.s32 $0x2800;
	s10 =	sadd.s32 $0xEA00, s12;
	s11 =	sadd.s32 $0x4A00, s12  }
0x12: {  	s12 =	smax.u32 s16, $0x1;
	s16 =	simm.s32 $0x9000;
	s21 =	sadd.s32 s22, s21  }
0x13: {  	s22 =	sadd.s32 s24, s23;
	s23 =	simm.s32 $0x20;
	s24 =	simm.s32 $0x10  }
.LBB2_1:
0x14: {  	[spmem:s13], [sflag:s9] =	dma.local [hbm:s6], $0x2800  }
0x15: {  	_ =	swait.ge [sflag:s14], $0x2800  }
0x16: {  	[sflag:s14] =	ssyncset.done $0x0  }
0x17: {  	[sflag:s14] =	ssyncadd.s32 $0xFFFFD800  }
0x18: {  	[spmem:s15], [sflag:s9] =	dma.local [hbm:s7], $0x50  }
0x19: {  	_ =	swait.ge [sflag:s14], $0x50  }
0x1a: {  	[sflag:s14] =	ssyncset.done $0x0  }
0x1b: {  	[sflag:s14] =	ssyncadd.s32 $0xFFFFFFB0  }
0x1c: {  	[tilespmem:s16], [sflag:$0x2] =	stream.linear.gather [hbm4b:s8+s5], $0x80, $0x38;
	[tilespmem:$0x1D300] =	vst v63  }
0x1d: {  	_ =	swait.ge [sflag:s14], $0x80  }
0x1e: {  	[sflag:s14] =	ssyncset.done $0x0  }
0x1f: {  	[sflag:s14] =	ssyncadd.s32 $0xFFFFFF80  }
0x20: {  	[tilespmem:s5], [sflag:$0x2] =	stream.linear.gather [hbm4b:s10+s5], $0x2800, $0x38;
	[tilespmem:$0x1D300] =	vst v63  }
0x21: {  	_ =	swait.ge [sflag:s14], $0x2800  }
0x22: {  	[sflag:s14] =	ssyncset.done $0x0  }
0x23: {  	[sflag:s14] =	ssyncadd.s32 $0xFFFFD800  }
0x24: {  	[tilespmem:s17], [sflag:$0x2] =	stream.linear.gather [hbm4b:s11+s5], $0x2800, $0x38;
	[tilespmem:$0x1D300] =	vst v63  }
0x25: {  	_ =	swait.ge [sflag:s14], $0x2800  }
0x26: {  	[sflag:s14] =	ssyncset.done $0x0  }
0x27: {  	[sflag:s14] =	ssyncadd.s32 $0xFFFFD800  }
0x28: {  	s26 =	simm.s32 $0x0;
	[bflag:$0x0] =	sbarrier.arrive $0xFFFF  }
0x29: {  	[tilespmem:s19], [sflag:$0x1] =	stream.indirect.gather [hbm4b:s1+s18], $0x80, s26, s18, $0xb8;
	[tilespmem:$0x1D300] =	vst v63  }
0x2a: {  	_ =	swait.ge [sflag:s20], $0x4000  }
0x2b: {  	[sflag:s20] =	ssyncset.done $0x0  }
0x2c: {  	s31 =	simm.s32 $0x2800;
	[sflag:s20] =	ssyncadd.s32 $0xFFFFC000  }
0x2d: {  	[spmem:s3] =	stream.indirect.scatter.add.f32 [tilespmem:s19], [sflag:$0x2], $0x80, s31, s18, $0xb8;
	[tilespmem:$0x1D300] =	vst v63  }
0x2e: {  	_ =	swait.ge [sflag:s14], $0x4000  }
0x2f: {  	[sflag:s14] =	ssyncset.done $0x0  }
0x30: {  	[sflag:s14] =	ssyncadd.s32 $0xFFFFC000  }
0x31: {  	[spmem:s4] =	stream.indirect.scatter.add.f32 [tilespmem:s16], [sflag:$0x2], $0x1, s31, s18, $0xb8;
	[tilespmem:$0x1D300] =	vst v63  }
0x32: {  	_ =	swait.ge [sflag:s14], $0x80  }
0x33: {  	s28 =	simm.s32 $0x400;
	s26 =	simm.s32 $0x200;
	[sflag:s14] =	ssyncset.done $0x0  }
.LBB2_2:
0x34: {  	s29 =	sshra.s32 s26, $0x2  }
0x35: {  	[sflag:s14] =	ssyncadd.s32 $0xFFFFFF80;
	s26 =	smov.u32 s28;
	s30 =	sadd.s32 $0x200, s28  }
0x36: {  	[tilespmem:s19], [sflag:$0x1] =	stream.indirect.gather [hbm4b:s1+s18], $0x80, s29, s18, $0xb8;
	[tilespmem:$0x1D300] =	vst v63  }
0x37: {  	p0 =	sne.s32 s28, $0x9E00;
	_ =	swait.ge [sflag:s20], $0x4000  }
0x38: {  	[sflag:s20] =	ssyncset.done $0x0  }
0x39: {  	s28 =	sadd.s32 $0x2800, s29;
	[sflag:s20] =	ssyncadd.s32 $0xFFFFC000  }
0x3a: {  	[spmem:s3] =	stream.indirect.scatter.add.f32 [tilespmem:s19], [sflag:$0x2], $0x80, s28, s18, $0xb8;
	[tilespmem:$0x1D300] =	vst v63  }
0x3b: {  	_ =	swait.ge [sflag:s14], $0x4000  }
.Ltmp0:
0x3c: {  	[sflag:s14] =	ssyncset.done $0x0;
	(pc) =	sbr.rel @p0 .LBB2_2-.Ltmp0, $4  }
0x3d: {  	[sflag:s14] =	ssyncadd.s32 $0xFFFFC000  }
0x3e: {  	[spmem:s4] =	stream.indirect.scatter.add.f32 [tilespmem:s16], [sflag:$0x2], $0x1, s28, s18, $0xb8;
	[tilespmem:$0x1D300] =	vst v63  }
0x3f: {  	_ =	swait.ge [sflag:s14], $0x80  }
0x40: {  	s28 =	smov.u32 s30;
	[sflag:s14] =	ssyncset.done $0x0  }
0x41: {  	s26 =	sshra.s32 s26, $0x2;
	[sflag:s14] =	ssyncadd.s32 $0xFFFFFF80  }
0x42: {  	[tilespmem:s19], [sflag:$0x1] =	stream.indirect.gather [hbm4b:s1+s18], $0x80, s26, s18, $0xb8;
	[tilespmem:$0x1D300] =	vst v63  }
0x43: {  	_ =	swait.ge [sflag:s20], $0x4000  }
0x44: {  	[sflag:s20] =	ssyncset.done $0x0  }
0x45: {  	s26 =	sadd.s32 $0x2800, s26;
	[sflag:s20] =	ssyncadd.s32 $0xFFFFC000  }
0x46: {  	[spmem:s3] =	stream.indirect.scatter.add.f32 [tilespmem:s19], [sflag:$0x2], $0x80, s26, s18, $0xb8;
	[tilespmem:$0x1D300] =	vst v63  }
0x47: {  	_ =	swait.ge [sflag:s14], $0x4000  }
0x48: {  	[sflag:s14] =	ssyncset.done $0x0  }
0x49: {  	[sflag:s14] =	ssyncadd.s32 $0xFFFFC000  }
0x4a: {  	[spmem:s4] =	stream.indirect.scatter.add.f32 [tilespmem:s16], [sflag:$0x2], $0x1, s26, s18, $0xb8;
	[tilespmem:$0x1D300] =	vst v63  }
0x4b: {  	_ =	swait.ge [sflag:s14], $0x80  }
0x4c: {  	[sflag:s14] =	ssyncset.done $0x0  }
0x4d: {  	[sflag:s14] =	ssyncadd.s32 $0xFFFFFF80  }
0x4e: {  	[bflag:$0x0] =	sbarrier.arrive $0xFFFF  }
0x4f: {  	[hbm:s21], [sflag:s9] =	dma.local [spmem:s13], $0x2800  }
0x50: {  	s25 =	sadd.s32 $0x1, s25;
	_ =	swait.ge [sflag:s14], $0x2800  }
0x51: {  	p0 =	sne.s32 s25, s12;
	[sflag:s14] =	ssyncset.done $0x0  }
.Ltmp1:
0x52: {  	[sflag:s14] =	ssyncadd.s32 $0xFFFFD800;
	(pc) =	sbr.rel @p0 .LBB2_1-.Ltmp1, $4  }
0x53: {  	[hbm:s22@s23], [sflag:s9] =	dma.strided [spmem:s15@s24], $0x50, s20, $0x10   }
0x54: {  	_ =	swait.ge [sflag:s14], $0x50  }
0x55: {  	[sflag:s14] =	ssyncset.done $0x0  }
0x56: {  	[sflag:s14] =	ssyncadd.s32 $0xFFFFFFB0  }
0x57: {  	_ =	sfence.sel $0x180000  }
0x58: {  	[bflag:$0x0] =	sbarrier.arrive $0xFFFF  }
0x59: {  	p0 =	sne.s32 s0, $0x0;
	_ =	strace $0x90000047  }
0x5a: {  	s0 =	sadd.s32 @!p0 $0x100000, s2;
	[bflag:$0x2] =	sbarrier.arrive $0xFFFF  }
0x5b: {  	[sflag:s0] =	ssyncadd.tile.s32 @!p0 $0x1;
	_ =	shalt  }
.Lfunc_end2:
_tile_overlayer_lowered:
.L_overlay_start_2:
0x5c: {  	(tag) =	ssettag $0x2  }
0x5d: {  	s0 =	rddreg [dreg:$0x0];
	s2 =	stileid.u32  }
0x5e: {  	s1 =	rddreg [dreg:$0x1];
	p0 =	sne.s32 s2, $0x0  }
0x5f: {  	s3 =	rddreg [dreg:$0x2];
	[bflag:$0x3] =	sbarrier.arrive $0xFFFF;
	s2 =	simm.s32 @!p0 $0x1C02  }
0x60: {  	[timem:s3], [sflag:s2] =	dma.local @!p0 [hbm:s0], s1  }
0x61: {  	s0 =	simm.s32 @!p0 $0x2  }
0x62: {  	_ =	swait.ge @!p0 [sflag:s0], s1  }
0x63: {  	s1 =	ssub.s32 @!p0 $0x0, s1;
	[sflag:s0] =	ssyncset.done @!p0 $0x0  }
0x64: {  	[sflag:s0] =	ssyncadd.s32 @!p0 s1  }
0x65: {  	[bflag:$0x3] =	sbarrier.arrive $0xFFFF  }
0x66: {  	_ =	shalt  }

// kernel: kernel.15.cloned.1.call-start
scs
__scs_entry_jumppad:
0x0: {  	(pc) =	sbr.rel $0x88, $3  }
0x1: {  	(tag) =	ssettag $0x0;
	lr =	simm.s32 $0x1  }
0x2: {  	[smem:$0x3F92] =	sst lr;
	_ =	strace $0xD0000000  }
0x3: {  	_ = 	snop  }
0x4: {  	_ = 	snop  }
0x5: {  	_ = 	snop  }
0x6: {  	_ = 	snop  }
0x7: {  	_ = 	snop  }
__scs_overlays_trampoline_lowered:
0x8: {  	[smem:$0x3FA1] =	sst s0  }
0x9: {  	[smem:$0x3FA2] =	sst s1  }
0xa: {  	[smem:$0x3FA3] =	sst s2  }
0xb: {  	[smem:$0x3FA4] =	sst s3  }
0xc: {  	[smem:$0x3FA5] =	sst s4  }
0xd: {  	[smem:$0x3FA6] =	sst s5  }
0xe: {  	[smem:$0x3FA7] =	sst s6  }
0xf: {  	[smem:$0x3FA8] =	sst s7  }
0x10: {  	[smem:$0x3FA9] =	sst s8  }
0x11: {  	[smem:$0x3FAA] =	sst s9;
	s0 =	simm.s32 @!p0 $0x0  }
0x12: {  	s1 =	sld [smem:$0x3F90];
	s0 =	simm.s32 @p0 $0x1  }
0x13: {  	[smem:$0x3FAB] =	sst s0;
	s0 =	simm.s32 @!p1 $0x0  }
0x14: {  	s2 =	sld [smem:$0x3F8F];
	s0 =	simm.s32 @p1 $0x1  }
0x15: {  	[smem:$0x3FAC] =	sst s0;
	s0 =	simm.s32 @!p2 $0x0  }
0x16: {  	s3 =	sld [smem:$0x3FDB];
	s0 =	simm.s32 @p2 $0x1  }
0x17: {  	s4 =	simm.s32 $0x1BF5;
	[smem:$0x3FAE] =	sst s0  }
0x18: {  	s0 =	sld [smem:$0x3F91];
	_ =	swait.ge [sflag:s4], $0x0  }
0x19: {  	s7 =	sld [smem:$0x3F92]  }
0x1a: {  	s8 =	sadd.s32 $0xFFFFE003, lr  }
0x1b: {  	s9 =	sadd.s32 $0xFFFFFEF7, lr;
	s5 =	simm.s32 $0xFFFFFFFF;
	p2 =	slt.u32 s8, $0xFFFFF086  }
0x1c: {  	p1 =	slt.u32 s9, $0xF7A;
	s5 =	simm.s32 @!p2 $0x0  }
0x1d: {  	s5 =	simm.s32 @p1 $0x1;
	p0 =	seq.s32 s7, s2  }
0x1e: {  	s7 =	smul.u32 @!p0 $0xF7A, s2;
	p2 =	seq.s32 @!p0 s5, $0x0  }
0x1f: {  	s9 =	smul.u32 $0xF7A, s1;
	s8 =	simm.s32 @!p0 $0x1BF5;
	p2 =	por !p2, p0  }
0x20: {  	[sflag:s8] =	ssyncset.s32 @!p0 $0xFFFFF086;
	s6 =	sadd.s32 @!p0 s3, s7;
	s7 =	simm.s32 @!p0 $0x108  }
0x21: {  	s3 =	sadd.s32 s3, s9;
	s6 =	sadd.s32 @!p0 $0x88, s6;
	s7 =	simm.s32 @p2 $0x1082  }
0x22: {  	[simem:s7], [sflag:s8] =	dma.local @!p0 [hbm:s6], $0xF7A  }
0x23: {  	s9 =	sor.u32 $0xD0000000, s2;
	s6 =	simm.s32 $0x108;
	_ =	swait.ge @!p0 [sflag:s8], $0x0  }
0x24: {  	s3 =	sadd.s32 $0x88, s3;
	s6 =	simm.s32 @!p1 $0x1082;
	[sflag:s4] =	ssyncset.s32 $0xFFFFF086  }
0x25: {  	[simem:s6], [sflag:s4] =	dma.local [hbm:s3], $0xF7A  }
0x26: {  	[smem:$0x3F92] =	sst s1;
	(tag) =	ssettag s2;
	_ =	strace s9  }
0x27: {  	s1 =	sld [smem:$0x3FA2]  }
0x28: {  	s2 =	sld [smem:$0x3FA3]  }
0x29: {  	s4 =	sld [smem:$0x3FA5]  }
0x2a: {  	p0 =	seq.s32 s5, $0x0;
	s5 =	sld [smem:$0x3FA6]  }
0x2b: {  	s6 =	sld [smem:$0x3FA7]  }
0x2c: {  	s7 =	sld [smem:$0x3FA8]  }
0x2d: {  	s3 =	simm.s32 $0x108;
	s8 =	sld [smem:$0x3FA9]  }
0x2e: {  	s3 =	simm.s32 @!p0 $0x1082;
	s9 =	sld [smem:$0x3FAA]  }
0x2f: {  	lr =	sadd.s32 s0, s3;
	s0 =	sld [smem:$0x3FA1]  }
0x30: {  	s3 =	sld [smem:$0x3FA4]  }
0x31: {  	[smem:$0x3FAD] =	sst s10  }
0x32: {  	s10 =	sld [smem:$0x3FAB];
	_ =	sdelay $0x3  }
0x33: {  	p0 =	seq.s32 s10, $0x1;
	s10 =	sld [smem:$0x3FAD];
	_ =	sdelay $0x3  }
0x34: {  	[smem:$0x3FAD] =	sst s10  }
0x35: {  	s10 =	sld [smem:$0x3FAC];
	_ =	sdelay $0x3  }
0x36: {  	p1 =	seq.s32 s10, $0x1;
	s10 =	sld [smem:$0x3FAD];
	_ =	sdelay $0x3  }
0x37: {  	[smem:$0x3FAD] =	sst s10  }
0x38: {  	s10 =	sld [smem:$0x3FAE]  }
0x39: {  	_ = 	snop;
	(pc) =	sbr.ind lr, $3  }
0x3a: {  	_ = 	snop  }
0x3b: {  	_ = 	snop  }
0x3c: {  	p2 =	seq.s32 s10, $0x1;
	s10 =	sld [smem:$0x3FAD]  }
0x3d: {  	_ =	shalt  }
0x3e: {  	_ =	shalt  }
0x3f: {  	_ =	shalt  }
0x40: {  	_ =	shalt  }
0x41: {  	_ =	shalt  }
0x42: {  	_ =	shalt  }
0x43: {  	_ =	shalt  }
0x44: {  	_ =	shalt  }
0x45: {  	_ =	shalt  }
0x46: {  	_ =	shalt  }
0x47: {  	_ =	shalt  }
0x48: {  	_ =	shalt  }
0x49: {  	_ =	shalt  }
0x4a: {  	_ =	shalt  }
0x4b: {  	_ =	shalt  }
0x4c: {  	_ =	shalt  }
0x4d: {  	_ =	shalt  }
0x4e: {  	_ =	shalt  }
0x4f: {  	_ =	shalt  }
0x50: {  	_ =	shalt  }
0x51: {  	_ =	shalt  }
0x52: {  	_ =	shalt  }
0x53: {  	_ =	shalt  }
0x54: {  	_ =	shalt  }
0x55: {  	_ =	shalt  }
0x56: {  	_ =	shalt  }
0x57: {  	_ =	shalt  }
0x58: {  	_ =	shalt  }
0x59: {  	_ =	shalt  }
0x5a: {  	_ =	shalt  }
0x5b: {  	_ =	shalt  }
0x5c: {  	_ =	shalt  }
0x5d: {  	_ =	shalt  }
0x5e: {  	_ =	shalt  }
0x5f: {  	_ =	shalt  }
0x60: {  	_ =	shalt  }
0x61: {  	_ =	shalt  }
0x62: {  	_ =	shalt  }
0x63: {  	_ =	shalt  }
0x64: {  	_ =	shalt  }
0x65: {  	_ =	shalt  }
0x66: {  	_ =	shalt  }
0x67: {  	_ =	shalt  }
0x68: {  	_ =	shalt  }
0x69: {  	_ =	shalt  }
0x6a: {  	_ =	shalt  }
0x6b: {  	_ =	shalt  }
0x6c: {  	_ =	shalt  }
0x6d: {  	_ =	shalt  }
0x6e: {  	_ =	shalt  }
0x6f: {  	_ =	shalt  }
0x70: {  	_ =	shalt  }
0x71: {  	_ =	shalt  }
0x72: {  	_ =	shalt  }
0x73: {  	_ =	shalt  }
0x74: {  	_ =	shalt  }
0x75: {  	_ =	shalt  }
0x76: {  	_ =	shalt  }
0x77: {  	_ =	shalt  }
0x78: {  	_ =	shalt  }
0x79: {  	_ =	shalt  }
0x7a: {  	_ =	shalt  }
0x7b: {  	_ =	shalt  }
0x7c: {  	_ =	shalt  }
0x7d: {  	_ =	shalt  }
0x7e: {  	_ =	shalt  }
0x7f: {  	_ =	shalt  }
0x80: {  	_ =	shalt  }
0x81: {  	_ =	shalt  }
0x82: {  	_ =	shalt  }
0x83: {  	_ =	shalt  }
0x84: {  	_ =	shalt  }
0x85: {  	_ =	shalt  }
0x86: {  	_ =	shalt  }
0x87: {  	_ =	shalt  }
.Lfunc_end0:
.L_simem_size_0:
called_computation.1_lowered:
.L_overlay_start_0:
0x88: {  	s2 =	sld [smem:$0x3FD9]  }
0x89: {  	s3 =	sld [smem:$0x3FFE];
	_ =	sdelay $0x1  }
0x8a: {  	s1 =	srdreg.scid  }
0x8b: {  	s0 =	sand.u32 $0x1, s1  }
0x8c: {  	s17 =	sshll.u32 s0, $0xA;
	s2 =	sadd.s32 s3, s2  }
0x8d: {  	s2 =	sadd.s32 s2, s17  }
0x8e: {  	[smem:$0x3FB9] =	sst s2  }
0x8f: {  	_ = 	snop  }
0x90: {  	s2 =	sld [smem:$0x3FD0];
	(tm) =	ssettm $0x1  }
0x91: {  	s18 =	sld [smem:$0x3FFB];
	_ =	sdelay $0x3  }
0x92: {  	_ =	strace s18  }
0x93: {  	s3 =	sld [smem:$0x3FFC];
	_ =	sdelay $0x3  }
0x94: {  	_ =	strace s3  }
0x95: {  	s3 =	sld [smem:$0x3FFD];
	_ =	sdelay $0x3  }
0x96: {  	_ =	strace s3  }
0x97: {  	_ =	strace $0x8FFFFFFF  }
0x98: {  	s19 =	sld [smem:$0x3FDB];
	_ =	sdelay $0x1  }
0x99: {  	s4 =	simm.s32 $_scs_section_size  }
0x9a: {  	s5 =	simm.s32 $_size__tile_overlayer_lowered;
	s6 =	simm.s32 $_tile_overlayer_lowered  }
0x9b: {  	s22 =	simm.s32 $0x1BFF;
	s21 =	sshll.u32 s6, $0x1;
	s3 =	sadd.s32 s4, s19  }
0x9c: {  	s7 =	simm.s32 $0x0;
	s20 =	sshll.u32 s5, $0x1;
	s5 =	sadd.s32 s21, s3  }
0x9d: {  	[timem:s7], [sflag:s22] =	dma.local [hbm:s5], s20  }
0x9e: {  	_ =	swait.ge [sflag:s22], s20  }
0x9f: {  	s4 =	ssub.s32 $0x0, s20;
	[sflag:s22] =	ssyncset.done $0x0  }
0xa0: {  	[sflag:s22] =	ssyncadd.s32 s4;
	_ =	sdelay $0x1  }
0xa1: {  	s23 =	simm.s32 $0x1B8B  }
0xa2: {  	_ =	swait.ge [sflag:s23], $0x1  }
0xa3: {  	[sflag:s23] =	ssyncset.done $0x0  }
0xa4: {  	s25 =	simm.s32 $0x1B8E;
	s24 =	sld [smem:$0x3FFE];
	[sflag:s23] =	ssyncadd.s32 $0xFFFFFFFF  }
0xa5: {  	s26 =	simm.s32 $execute0_lowered;
	[smem:$0x3FD2] =	sst s25  }
0xa6: {  	s5 =	sshll.u32 s26, $0x1;
	_ =	strace $0x80000049;
	[dreg:$0x1] =	wrdreg $0xFFFFFFFF  }
0xa7: {  	s28 =	simm.s32 $_size_execute0_lowered;
	s3 =	sadd.s32 s3, s5;
	[dreg:$0x0] =	wrdreg $0x0  }
0xa8: {  	s5 =	sshll.u32 s28, $0x1;
	[dreg:$0x2] =	wrdreg s3  }
0xa9: {  	[dreg:$0x3] =	wrdreg s5  }
0xaa: {  	[dreg:$0x4] =	wrdreg $0xC0  }
0xab: {  	_ =	task [dreg:s7], $0x5FFFF  }
0xac: {  	[dreg:$0x1] =	wrdreg $0xFFFFFFFF  }
0xad: {  	[dreg:$0x0] =	wrdreg $0x60  }
0xae: {  	[dreg:$0x2] =	wrdreg s2  }
0xaf: {  	[dreg:$0x3] =	wrdreg s24  }
0xb0: {  	[dreg:$0x4] =	wrdreg $0x90800  }
0xb1: {  	[dreg:$0x5] =	wrdreg $0x1D0800  }
0xb2: {  	[dreg:$0x6] =	wrdreg $0x9  }
0xb3: {  	_ =	task.clear_ibuf [dreg:s7], $0x7FFFF;
	_ =	strace $0x90000049  }
0xb4: {  	s29 =	simm.s32 $0x9;
	_ =	strace $0x8000004B  }
0xb5: {  	_ =	swait.ge [sflag:s29], $0x1  }
0xb6: {  	[sflag:s29] =	ssyncadd.s32 $0xFFFFFFFF  }
0xb7: {  	_ =	strace $0x9000004B  }
0xb8: {  	_ =	sfence  }
0xb9: {  	s30 =	sld [smem:$0x0];
	_ =	sdelay $0x2  }
0xba: {  	s31 =	sshll.u32 s1, $0xD;
	s1 =	sshrl.u32 s1, $0x2  }
0xbb: {  	s3 =	sand.u32 $0x4000, s31;
	s1 =	sadd.s32 s1, s30  }
0xbc: {  	s0 =	sor.u32 s3, s0;
	s1 =	sshll.u32 s1, $0x11  }
0xbd: {  	s0 =	sor.u32 s1, s0  }
0xbe: {  	s0 =	sadd.s32 $0x8F2B, s0  }
0xbf: {  	[sflag:s0] =	ssyncadd.remote.s32 $0x1  }
0xc0: {  	_ =	sfence.sel $0xFFFF  }
0xc1: {  	[dreg:$0x0] =	wrdreg $0xFFFFFFFF;
	(pc) =	sbr.abs _section_cstart, $3  }
0xc2: {  	[dreg:$0x1] =	wrdreg $0xFFFFFFFF  }
0xc3: {  	_ =	task.clear_ibuf [dreg:s7], $0x2FFFF;
	_ =	strace $0x9FFFFFFF  }
0xc4: {  	(tm) =	ssettm $0x7FFFFFFF  }
0xc5: {  	_ =	shalt  }
tec
execute0_lowered:
.L_overlay_start_1:
0x0: {  	(tag) =	ssettag $0x1  }
0x1: {  	s1 =	rddreg [dreg:$0x0]  }
0x2: {  	s9 =	rddreg [dreg:$0x1];
	s2 =	srdreg.scid  }
0x3: {  	s0 =	stileid.u32;
	s3 =	rddreg [dreg:$0x2]  }
0x4: {  	s4 =	rddreg [dreg:$0x3];
	s5 =	simm.s32 $0x0;
	s18 =	simm.s32 $0x80  }
0x5: {  	s19 =	simm.s32 $0x5000;
	s20 =	simm.s32 $0x1;
	s10 =	sand.u32 $0x1, s2  }
0x6: {  	s24 =	sshll.u32 s0, $0x1;
	s2 =	rddreg [dreg:$0x4];
	s14 =	smul.u32 $0x50000, s0  }
0x7: {  	[smem:$0x7FF] =	sst s5;
	s7 =	sadd.s32 $0x18C00, s9;
	s28 =	smul.u32 $0xA00, s0  }
0x8: {  	s8 =	sadd.s32 $0x18A00, s9;
	s30 =	sshll.u32 s0, $0x6;
	s22 =	smul.u32 $0x2800, s0  }
0x9: {  	s6 =	sor.u32 s10, s24;
	s11 =	smul.u32 $0x28000, s10;
	_ =	strace $0x8000004A  }
0xa: {  	s25 =	sshll.u32 s10, $0x4;
	s10 =	ssub.s32 $0x2, s10;
	s24 =	smul.u32 $0xA0, s0  }
0xb: {  	s6 =	smul.u32 $0x500, s6;
	s15 =	sadd.s32 s25, s9;
	s26 =	sshrl.u32 s10, $0x1  }
0xc: {  	s29 =	sshrl.u32 s14, $0x2;
	s31 =	sshrl.u32 s28, $0x2;
	s25 =	simm.s32 $0x0  }
0xd: {  	s13 =	sadd.s32 s11, s9;
	s16 =	ssub.s32 s10, s26;
	s14 =	sadd.s32 s29, s3  }
0xe: {  	s17 =	sadd.s32 s31, s4;
	s23 =	sadd.s32 $0x1B600, s15;
	s12 =	sadd.s32 s6, s9  }
0xf: {  	s6 =	sadd.s32 $0x18E00, s9;
	s9 =	sor.u32 $0x1C02, s30;
	s21 =	sadd.s32 $0x1C000, s13  }
0x10: {  	s13 =	sshrl.u32 s14, $0x3;
	s14 =	simm.s32 $0x2;
	s15 =	sshrl.u32 s17, $0x3  }
0x11: {  	s17 =	simm.s32 $0x2800;
	s10 =	sadd.s32 $0xEA00, s12;
	s11 =	sadd.s32 $0x4A00, s12  }
0x12: {  	s12 =	smax.u32 s16, $0x1;
	s16 =	simm.s32 $0x9000;
	s21 =	sadd.s32 s22, s21  }
0x13: {  	s22 =	sadd.s32 s24, s23;
	s23 =	simm.s32 $0x20;
	s24 =	simm.s32 $0x10  }
.LBB2_1:
0x14: {  	[spmem:s13], [sflag:s9] =	dma.local [hbm:s6], $0x2800  }
0x15: {  	_ =	swait.ge [sflag:s14], $0x2800  }
0x16: {  	[sflag:s14] =	ssyncset.done $0x0  }
0x17: {  	[sflag:s14] =	ssyncadd.s32 $0xFFFFD800  }
0x18: {  	[spmem:s15], [sflag:s9] =	dma.local [hbm:s7], $0x50  }
0x19: {  	_ =	swait.ge [sflag:s14], $0x50  }
0x1a: {  	[sflag:s14] =	ssyncset.done $0x0  }
0x1b: {  	[sflag:s14] =	ssyncadd.s32 $0xFFFFFFB0  }
0x1c: {  	[tilespmem:s16], [sflag:$0x2] =	stream.linear.gather [hbm4b:s8+s5], $0x80, $0x38;
	[tilespmem:$0x1D300] =	vst v63  }
0x1d: {  	_ =	swait.ge [sflag:s14], $0x80  }
0x1e: {  	[sflag:s14] =	ssyncset.done $0x0  }
0x1f: {  	[sflag:s14] =	ssyncadd.s32 $0xFFFFFF80  }
0x20: {  	[tilespmem:s5], [sflag:$0x2] =	stream.linear.gather [hbm4b:s10+s5], $0x2800, $0x38;
	[tilespmem:$0x1D300] =	vst v63  }
0x21: {  	_ =	swait.ge [sflag:s14], $0x2800  }
0x22: {  	[sflag:s14] =	ssyncset.done $0x0  }
0x23: {  	[sflag:s14] =	ssyncadd.s32 $0xFFFFD800  }
0x24: {  	[tilespmem:s17], [sflag:$0x2] =	stream.linear.gather [hbm4b:s11+s5], $0x2800, $0x38;
	[tilespmem:$0x1D300] =	vst v63  }
0x25: {  	_ =	swait.ge [sflag:s14], $0x2800  }
0x26: {  	[sflag:s14] =	ssyncset.done $0x0  }
0x27: {  	[sflag:s14] =	ssyncadd.s32 $0xFFFFD800  }
0x28: {  	s26 =	simm.s32 $0x0;
	[bflag:$0x0] =	sbarrier.arrive $0xFFFF  }
0x29: {  	[tilespmem:s19], [sflag:$0x1] =	stream.indirect.gather [hbm4b:s1+s18], $0x80, s26, s18, $0xb8;
	[tilespmem:$0x1D300] =	vst v63  }
0x2a: {  	_ =	swait.ge [sflag:s20], $0x4000  }
0x2b: {  	[sflag:s20] =	ssyncset.done $0x0  }
0x2c: {  	s31 =	simm.s32 $0x2800;
	[sflag:s20] =	ssyncadd.s32 $0xFFFFC000  }
0x2d: {  	[spmem:s3] =	stream.indirect.scatter.add.f32 [tilespmem:s19], [sflag:$0x2], $0x80, s31, s18, $0xb8;
	[tilespmem:$0x1D300] =	vst v63  }
0x2e: {  	_ =	swait.ge [sflag:s14], $0x4000  }
0x2f: {  	[sflag:s14] =	ssyncset.done $0x0  }
0x30: {  	[sflag:s14] =	ssyncadd.s32 $0xFFFFC000  }
0x31: {  	[spmem:s4] =	stream.indirect.scatter.add.f32 [tilespmem:s16], [sflag:$0x2], $0x1, s31, s18, $0xb8;
	[tilespmem:$0x1D300] =	vst v63  }
0x32: {  	_ =	swait.ge [sflag:s14], $0x80  }
0x33: {  	s28 =	simm.s32 $0x400;
	s26 =	simm.s32 $0x200;
	[sflag:s14] =	ssyncset.done $0x0  }
.LBB2_2:
0x34: {  	s29 =	sshra.s32 s26, $0x2  }
0x35: {  	[sflag:s14] =	ssyncadd.s32 $0xFFFFFF80;
	s26 =	smov.u32 s28;
	s30 =	sadd.s32 $0x200, s28  }
0x36: {  	[tilespmem:s19], [sflag:$0x1] =	stream.indirect.gather [hbm4b:s1+s18], $0x80, s29, s18, $0xb8;
	[tilespmem:$0x1D300] =	vst v63  }
0x37: {  	p0 =	sne.s32 s28, $0x9E00;
	_ =	swait.ge [sflag:s20], $0x4000  }
0x38: {  	[sflag:s20] =	ssyncset.done $0x0  }
0x39: {  	s28 =	sadd.s32 $0x2800, s29;
	[sflag:s20] =	ssyncadd.s32 $0xFFFFC000  }
0x3a: {  	[spmem:s3] =	stream.indirect.scatter.add.f32 [tilespmem:s19], [sflag:$0x2], $0x80, s28, s18, $0xb8;
	[tilespmem:$0x1D300] =	vst v63  }
0x3b: {  	_ =	swait.ge [sflag:s14], $0x4000  }
.Ltmp0:
0x3c: {  	[sflag:s14] =	ssyncset.done $0x0;
	(pc) =	sbr.rel @p0 .LBB2_2-.Ltmp0, $4  }
0x3d: {  	[sflag:s14] =	ssyncadd.s32 $0xFFFFC000  }
0x3e: {  	[spmem:s4] =	stream.indirect.scatter.add.f32 [tilespmem:s16], [sflag:$0x2], $0x1, s28, s18, $0xb8;
	[tilespmem:$0x1D300] =	vst v63  }
0x3f: {  	_ =	swait.ge [sflag:s14], $0x80  }
0x40: {  	s28 =	smov.u32 s30;
	[sflag:s14] =	ssyncset.done $0x0  }
0x41: {  	s26 =	sshra.s32 s26, $0x2;
	[sflag:s14] =	ssyncadd.s32 $0xFFFFFF80  }
0x42: {  	[tilespmem:s19], [sflag:$0x1] =	stream.indirect.gather [hbm4b:s1+s18], $0x80, s26, s18, $0xb8;
	[tilespmem:$0x1D300] =	vst v63  }
0x43: {  	_ =	swait.ge [sflag:s20], $0x4000  }
0x44: {  	[sflag:s20] =	ssyncset.done $0x0  }
0x45: {  	s26 =	sadd.s32 $0x2800, s26;
	[sflag:s20] =	ssyncadd.s32 $0xFFFFC000  }
0x46: {  	[spmem:s3] =	stream.indirect.scatter.add.f32 [tilespmem:s19], [sflag:$0x2], $0x80, s26, s18, $0xb8;
	[tilespmem:$0x1D300] =	vst v63  }
0x47: {  	_ =	swait.ge [sflag:s14], $0x4000  }
0x48: {  	[sflag:s14] =	ssyncset.done $0x0  }
0x49: {  	[sflag:s14] =	ssyncadd.s32 $0xFFFFC000  }
0x4a: {  	[spmem:s4] =	stream.indirect.scatter.add.f32 [tilespmem:s16], [sflag:$0x2], $0x1, s26, s18, $0xb8;
	[tilespmem:$0x1D300] =	vst v63  }
0x4b: {  	_ =	swait.ge [sflag:s14], $0x80  }
0x4c: {  	[sflag:s14] =	ssyncset.done $0x0  }
0x4d: {  	[sflag:s14] =	ssyncadd.s32 $0xFFFFFF80  }
0x4e: {  	[bflag:$0x0] =	sbarrier.arrive $0xFFFF  }
0x4f: {  	[hbm:s21], [sflag:s9] =	dma.local [spmem:s13], $0x2800  }
0x50: {  	s25 =	sadd.s32 $0x1, s25;
	_ =	swait.ge [sflag:s14], $0x2800  }
0x51: {  	p0 =	sne.s32 s25, s12;
	[sflag:s14] =	ssyncset.done $0x0  }
.Ltmp1:
0x52: {  	[sflag:s14] =	ssyncadd.s32 $0xFFFFD800;
	(pc) =	sbr.rel @p0 .LBB2_1-.Ltmp1, $4  }
0x53: {  	[hbm:s22@s23], [sflag:s9] =	dma.strided [spmem:s15@s24], $0x50, s20, $0x10   }
0x54: {  	_ =	swait.ge [sflag:s14], $0x50  }
0x55: {  	[sflag:s14] =	ssyncset.done $0x0  }
0x56: {  	[sflag:s14] =	ssyncadd.s32 $0xFFFFFFB0  }
0x57: {  	_ =	sfence.sel $0x180000  }
0x58: {  	[bflag:$0x0] =	sbarrier.arrive $0xFFFF  }
0x59: {  	p0 =	sne.s32 s0, $0x0;
	_ =	strace $0x9000004A  }
0x5a: {  	s0 =	sadd.s32 @!p0 $0x100000, s2;
	[bflag:$0x2] =	sbarrier.arrive $0xFFFF  }
0x5b: {  	[sflag:s0] =	ssyncadd.tile.s32 @!p0 $0x1;
	_ =	shalt  }
.Lfunc_end2:
_tile_overlayer_lowered:
.L_overlay_start_2:
0x5c: {  	(tag) =	ssettag $0x2  }
0x5d: {  	s0 =	rddreg [dreg:$0x0];
	s2 =	stileid.u32  }
0x5e: {  	s1 =	rddreg [dreg:$0x1];
	p0 =	sne.s32 s2, $0x0  }
0x5f: {  	s3 =	rddreg [dreg:$0x2];
	[bflag:$0x3] =	sbarrier.arrive $0xFFFF;
	s2 =	simm.s32 @!p0 $0x1C02  }
0x60: {  	[timem:s3], [sflag:s2] =	dma.local @!p0 [hbm:s0], s1  }
0x61: {  	s0 =	simm.s32 @!p0 $0x2  }
0x62: {  	_ =	swait.ge @!p0 [sflag:s0], s1  }
0x63: {  	s1 =	ssub.s32 @!p0 $0x0, s1;
	[sflag:s0] =	ssyncset.done @!p0 $0x0  }
0x64: {  	[sflag:s0] =	ssyncadd.s32 @!p0 s1  }
0x65: {  	[bflag:$0x3] =	sbarrier.arrive $0xFFFF  }
0x66: {  	_ =	shalt  }

// kernel: kernel.18.cloned.1.call-start
scs
__scs_entry_jumppad:
0x0: {  	(pc) =	sbr.rel $0x88, $3  }
0x1: {  	(tag) =	ssettag $0x0;
	lr =	simm.s32 $0x1  }
0x2: {  	[smem:$0x3F92] =	sst lr;
	_ =	strace $0xD0000000  }
0x3: {  	_ = 	snop  }
0x4: {  	_ = 	snop  }
0x5: {  	_ = 	snop  }
0x6: {  	_ = 	snop  }
0x7: {  	_ = 	snop  }
__scs_overlays_trampoline_lowered:
0x8: {  	[smem:$0x3FA1] =	sst s0  }
0x9: {  	[smem:$0x3FA2] =	sst s1  }
0xa: {  	[smem:$0x3FA3] =	sst s2  }
0xb: {  	[smem:$0x3FA4] =	sst s3  }
0xc: {  	[smem:$0x3FA5] =	sst s4  }
0xd: {  	[smem:$0x3FA6] =	sst s5  }
0xe: {  	[smem:$0x3FA7] =	sst s6  }
0xf: {  	[smem:$0x3FA8] =	sst s7  }
0x10: {  	[smem:$0x3FA9] =	sst s8  }
0x11: {  	[smem:$0x3FAA] =	sst s9;
	s0 =	simm.s32 @!p0 $0x0  }
0x12: {  	s1 =	sld [smem:$0x3F90];
	s0 =	simm.s32 @p0 $0x1  }
0x13: {  	[smem:$0x3FAB] =	sst s0;
	s0 =	simm.s32 @!p1 $0x0  }
0x14: {  	s2 =	sld [smem:$0x3F8F];
	s0 =	simm.s32 @p1 $0x1  }
0x15: {  	[smem:$0x3FAC] =	sst s0;
	s0 =	simm.s32 @!p2 $0x0  }
0x16: {  	s3 =	sld [smem:$0x3FDB];
	s0 =	simm.s32 @p2 $0x1  }
0x17: {  	s4 =	simm.s32 $0x1BF5;
	[smem:$0x3FAE] =	sst s0  }
0x18: {  	s0 =	sld [smem:$0x3F91];
	_ =	swait.ge [sflag:s4], $0x0  }
0x19: {  	s7 =	sld [smem:$0x3F92]  }
0x1a: {  	s8 =	sadd.s32 $0xFFFFE003, lr  }
0x1b: {  	s9 =	sadd.s32 $0xFFFFFEF7, lr;
	s5 =	simm.s32 $0xFFFFFFFF;
	p2 =	slt.u32 s8, $0xFFFFF086  }
0x1c: {  	p1 =	slt.u32 s9, $0xF7A;
	s5 =	simm.s32 @!p2 $0x0  }
0x1d: {  	s5 =	simm.s32 @p1 $0x1;
	p0 =	seq.s32 s7, s2  }
0x1e: {  	s7 =	smul.u32 @!p0 $0xF7A, s2;
	p2 =	seq.s32 @!p0 s5, $0x0  }
0x1f: {  	s9 =	smul.u32 $0xF7A, s1;
	s8 =	simm.s32 @!p0 $0x1BF5;
	p2 =	por !p2, p0  }
0x20: {  	[sflag:s8] =	ssyncset.s32 @!p0 $0xFFFFF086;
	s6 =	sadd.s32 @!p0 s3, s7;
	s7 =	simm.s32 @!p0 $0x108  }
0x21: {  	s3 =	sadd.s32 s3, s9;
	s6 =	sadd.s32 @!p0 $0x88, s6;
	s7 =	simm.s32 @p2 $0x1082  }
0x22: {  	[simem:s7], [sflag:s8] =	dma.local @!p0 [hbm:s6], $0xF7A  }
0x23: {  	s9 =	sor.u32 $0xD0000000, s2;
	s6 =	simm.s32 $0x108;
	_ =	swait.ge @!p0 [sflag:s8], $0x0  }
0x24: {  	s3 =	sadd.s32 $0x88, s3;
	s6 =	simm.s32 @!p1 $0x1082;
	[sflag:s4] =	ssyncset.s32 $0xFFFFF086  }
0x25: {  	[simem:s6], [sflag:s4] =	dma.local [hbm:s3], $0xF7A  }
0x26: {  	[smem:$0x3F92] =	sst s1;
	(tag) =	ssettag s2;
	_ =	strace s9  }
0x27: {  	s1 =	sld [smem:$0x3FA2]  }
0x28: {  	s2 =	sld [smem:$0x3FA3]  }
0x29: {  	s4 =	sld [smem:$0x3FA5]  }
0x2a: {  	p0 =	seq.s32 s5, $0x0;
	s5 =	sld [smem:$0x3FA6]  }
0x2b: {  	s6 =	sld [smem:$0x3FA7]  }
0x2c: {  	s7 =	sld [smem:$0x3FA8]  }
0x2d: {  	s3 =	simm.s32 $0x108;
	s8 =	sld [smem:$0x3FA9]  }
0x2e: {  	s3 =	simm.s32 @!p0 $0x1082;
	s9 =	sld [smem:$0x3FAA]  }
0x2f: {  	lr =	sadd.s32 s0, s3;
	s0 =	sld [smem:$0x3FA1]  }
0x30: {  	s3 =	sld [smem:$0x3FA4]  }
0x31: {  	[smem:$0x3FAD] =	sst s10  }
0x32: {  	s10 =	sld [smem:$0x3FAB];
	_ =	sdelay $0x3  }
0x33: {  	p0 =	seq.s32 s10, $0x1;
	s10 =	sld [smem:$0x3FAD];
	_ =	sdelay $0x3  }
0x34: {  	[smem:$0x3FAD] =	sst s10  }
0x35: {  	s10 =	sld [smem:$0x3FAC];
	_ =	sdelay $0x3  }
0x36: {  	p1 =	seq.s32 s10, $0x1;
	s10 =	sld [smem:$0x3FAD];
	_ =	sdelay $0x3  }
0x37: {  	[smem:$0x3FAD] =	sst s10  }
0x38: {  	s10 =	sld [smem:$0x3FAE]  }
0x39: {  	_ = 	snop;
	(pc) =	sbr.ind lr, $3  }
0x3a: {  	_ = 	snop  }
0x3b: {  	_ = 	snop  }
0x3c: {  	p2 =	seq.s32 s10, $0x1;
	s10 =	sld [smem:$0x3FAD]  }
0x3d: {  	_ =	shalt  }
0x3e: {  	_ =	shalt  }
0x3f: {  	_ =	shalt  }
0x40: {  	_ =	shalt  }
0x41: {  	_ =	shalt  }
0x42: {  	_ =	shalt  }
0x43: {  	_ =	shalt  }
0x44: {  	_ =	shalt  }
0x45: {  	_ =	shalt  }
0x46: {  	_ =	shalt  }
0x47: {  	_ =	shalt  }
0x48: {  	_ =	shalt  }
0x49: {  	_ =	shalt  }
0x4a: {  	_ =	shalt  }
0x4b: {  	_ =	shalt  }
0x4c: {  	_ =	shalt  }
0x4d: {  	_ =	shalt  }
0x4e: {  	_ =	shalt  }
0x4f: {  	_ =	shalt  }
0x50: {  	_ =	shalt  }
0x51: {  	_ =	shalt  }
0x52: {  	_ =	shalt  }
0x53: {  	_ =	shalt  }
0x54: {  	_ =	shalt  }
0x55: {  	_ =	shalt  }
0x56: {  	_ =	shalt  }
0x57: {  	_ =	shalt  }
0x58: {  	_ =	shalt  }
0x59: {  	_ =	shalt  }
0x5a: {  	_ =	shalt  }
0x5b: {  	_ =	shalt  }
0x5c: {  	_ =	shalt  }
0x5d: {  	_ =	shalt  }
0x5e: {  	_ =	shalt  }
0x5f: {  	_ =	shalt  }
0x60: {  	_ =	shalt  }
0x61: {  	_ =	shalt  }
0x62: {  	_ =	shalt  }
0x63: {  	_ =	shalt  }
0x64: {  	_ =	shalt  }
0x65: {  	_ =	shalt  }
0x66: {  	_ =	shalt  }
0x67: {  	_ =	shalt  }
0x68: {  	_ =	shalt  }
0x69: {  	_ =	shalt  }
0x6a: {  	_ =	shalt  }
0x6b: {  	_ =	shalt  }
0x6c: {  	_ =	shalt  }
0x6d: {  	_ =	shalt  }
0x6e: {  	_ =	shalt  }
0x6f: {  	_ =	shalt  }
0x70: {  	_ =	shalt  }
0x71: {  	_ =	shalt  }
0x72: {  	_ =	shalt  }
0x73: {  	_ =	shalt  }
0x74: {  	_ =	shalt  }
0x75: {  	_ =	shalt  }
0x76: {  	_ =	shalt  }
0x77: {  	_ =	shalt  }
0x78: {  	_ =	shalt  }
0x79: {  	_ =	shalt  }
0x7a: {  	_ =	shalt  }
0x7b: {  	_ =	shalt  }
0x7c: {  	_ =	shalt  }
0x7d: {  	_ =	shalt  }
0x7e: {  	_ =	shalt  }
0x7f: {  	_ =	shalt  }
0x80: {  	_ =	shalt  }
0x81: {  	_ =	shalt  }
0x82: {  	_ =	shalt  }
0x83: {  	_ =	shalt  }
0x84: {  	_ =	shalt  }
0x85: {  	_ =	shalt  }
0x86: {  	_ =	shalt  }
0x87: {  	_ =	shalt  }
.Lfunc_end0:
.L_simem_size_0:
called_computation.2_lowered:
.L_overlay_start_0:
0x88: {  	s2 =	sld [smem:$0x3FD9]  }
0x89: {  	s3 =	sld [smem:$0x3FFE];
	_ =	sdelay $0x1  }
0x8a: {  	s1 =	srdreg.scid  }
0x8b: {  	s0 =	sand.u32 $0x1, s1  }
0x8c: {  	s17 =	sshll.u32 s0, $0xA;
	s2 =	sadd.s32 s3, s2  }
0x8d: {  	s2 =	sadd.s32 s2, s17  }
0x8e: {  	[smem:$0x3FB9] =	sst s2  }
0x8f: {  	_ = 	snop  }
0x90: {  	s2 =	sld [smem:$0x3FD0];
	(tm) =	ssettm $0x1  }
0x91: {  	s18 =	sld [smem:$0x3FFB];
	_ =	sdelay $0x3  }
0x92: {  	_ =	strace s18  }
0x93: {  	s3 =	sld [smem:$0x3FFC];
	_ =	sdelay $0x3  }
0x94: {  	_ =	strace s3  }
0x95: {  	s3 =	sld [smem:$0x3FFD];
	_ =	sdelay $0x3  }
0x96: {  	_ =	strace s3  }
0x97: {  	_ =	strace $0x8FFFFFFF  }
0x98: {  	s19 =	sld [smem:$0x3FDB];
	_ =	sdelay $0x1  }
0x99: {  	s4 =	simm.s32 $_scs_section_size  }
0x9a: {  	s5 =	simm.s32 $_size__tile_overlayer_lowered;
	s6 =	simm.s32 $_tile_overlayer_lowered  }
0x9b: {  	s22 =	simm.s32 $0x1BFF;
	s21 =	sshll.u32 s6, $0x1;
	s3 =	sadd.s32 s4, s19  }
0x9c: {  	s7 =	simm.s32 $0x0;
	s20 =	sshll.u32 s5, $0x1;
	s5 =	sadd.s32 s21, s3  }
0x9d: {  	[timem:s7], [sflag:s22] =	dma.local [hbm:s5], s20  }
0x9e: {  	_ =	swait.ge [sflag:s22], s20  }
0x9f: {  	s4 =	ssub.s32 $0x0, s20;
	[sflag:s22] =	ssyncset.done $0x0  }
0xa0: {  	[sflag:s22] =	ssyncadd.s32 s4;
	_ =	sdelay $0x1  }
0xa1: {  	s23 =	simm.s32 $0x1B8B  }
0xa2: {  	_ =	swait.ge [sflag:s23], $0x1  }
0xa3: {  	[sflag:s23] =	ssyncset.done $0x0  }
0xa4: {  	s25 =	simm.s32 $0x1B8E;
	s24 =	sld [smem:$0x3FFE];
	[sflag:s23] =	ssyncadd.s32 $0xFFFFFFFF  }
0xa5: {  	s26 =	simm.s32 $execute0_lowered;
	[smem:$0x3FD2] =	sst s25  }
0xa6: {  	s5 =	sshll.u32 s26, $0x1;
	_ =	strace $0x8000004C;
	[dreg:$0x1] =	wrdreg $0xFFFFFFFF  }
0xa7: {  	s28 =	simm.s32 $_size_execute0_lowered;
	s3 =	sadd.s32 s3, s5;
	[dreg:$0x0] =	wrdreg $0x0  }
0xa8: {  	s5 =	sshll.u32 s28, $0x1;
	[dreg:$0x2] =	wrdreg s3  }
0xa9: {  	[dreg:$0x3] =	wrdreg s5  }
0xaa: {  	[dreg:$0x4] =	wrdreg $0xC0  }
0xab: {  	_ =	task [dreg:s7], $0x5FFFF  }
0xac: {  	[dreg:$0x1] =	wrdreg $0xFFFFFFFF  }
0xad: {  	[dreg:$0x0] =	wrdreg $0x60  }
0xae: {  	[dreg:$0x2] =	wrdreg s2  }
0xaf: {  	[dreg:$0x3] =	wrdreg s24  }
0xb0: {  	[dreg:$0x4] =	wrdreg $0x90800  }
0xb1: {  	[dreg:$0x5] =	wrdreg $0x1D0800  }
0xb2: {  	[dreg:$0x6] =	wrdreg $0x9  }
0xb3: {  	_ =	task.clear_ibuf [dreg:s7], $0x7FFFF;
	_ =	strace $0x9000004C  }
0xb4: {  	s29 =	simm.s32 $0x9;
	_ =	strace $0x8000004E  }
0xb5: {  	_ =	swait.ge [sflag:s29], $0x1  }
0xb6: {  	[sflag:s29] =	ssyncadd.s32 $0xFFFFFFFF  }
0xb7: {  	_ =	strace $0x9000004E  }
0xb8: {  	_ =	sfence  }
0xb9: {  	s30 =	sld [smem:$0x0];
	_ =	sdelay $0x2  }
0xba: {  	s31 =	sshll.u32 s1, $0xD;
	s1 =	sshrl.u32 s1, $0x2  }
0xbb: {  	s3 =	sand.u32 $0x4000, s31;
	s1 =	sadd.s32 s1, s30  }
0xbc: {  	s0 =	sor.u32 s3, s0;
	s1 =	sshll.u32 s1, $0x11  }
0xbd: {  	s0 =	sor.u32 s1, s0  }
0xbe: {  	s0 =	sadd.s32 $0x8F2B, s0  }
0xbf: {  	[sflag:s0] =	ssyncadd.remote.s32 $0x1  }
0xc0: {  	_ =	sfence.sel $0xFFFF  }
0xc1: {  	[dreg:$0x0] =	wrdreg $0xFFFFFFFF;
	(pc) =	sbr.abs _section_cstart, $3  }
0xc2: {  	[dreg:$0x1] =	wrdreg $0xFFFFFFFF  }
0xc3: {  	_ =	task.clear_ibuf [dreg:s7], $0x2FFFF;
	_ =	strace $0x9FFFFFFF  }
0xc4: {  	(tm) =	ssettm $0x7FFFFFFF  }
0xc5: {  	_ =	shalt  }
tec
execute0_lowered:
.L_overlay_start_1:
0x0: {  	(tag) =	ssettag $0x1  }
0x1: {  	s1 =	rddreg [dreg:$0x0]  }
0x2: {  	s9 =	rddreg [dreg:$0x1];
	s2 =	srdreg.scid  }
0x3: {  	s0 =	stileid.u32;
	s3 =	rddreg [dreg:$0x2]  }
0x4: {  	s4 =	rddreg [dreg:$0x3];
	s5 =	simm.s32 $0x0;
	s18 =	simm.s32 $0x80  }
0x5: {  	s19 =	simm.s32 $0x5000;
	s20 =	simm.s32 $0x1;
	s10 =	sand.u32 $0x1, s2  }
0x6: {  	s24 =	sshll.u32 s0, $0x1;
	s2 =	rddreg [dreg:$0x4];
	s14 =	smul.u32 $0x50000, s0  }
0x7: {  	[smem:$0x7FF] =	sst s5;
	s7 =	sadd.s32 $0x18C00, s9;
	s28 =	smul.u32 $0xA00, s0  }
0x8: {  	s8 =	sadd.s32 $0x18A00, s9;
	s30 =	sshll.u32 s0, $0x6;
	s22 =	smul.u32 $0x2800, s0  }
0x9: {  	s6 =	sor.u32 s10, s24;
	s11 =	smul.u32 $0x28000, s10;
	_ =	strace $0x8000004D  }
0xa: {  	s25 =	sshll.u32 s10, $0x4;
	s10 =	ssub.s32 $0x2, s10;
	s24 =	smul.u32 $0xA0, s0  }
0xb: {  	s6 =	smul.u32 $0x500, s6;
	s15 =	sadd.s32 s25, s9;
	s26 =	sshrl.u32 s10, $0x1  }
0xc: {  	s29 =	sshrl.u32 s14, $0x2;
	s31 =	sshrl.u32 s28, $0x2;
	s25 =	simm.s32 $0x0  }
0xd: {  	s13 =	sadd.s32 s11, s9;
	s16 =	ssub.s32 s10, s26;
	s14 =	sadd.s32 s29, s3  }
0xe: {  	s17 =	sadd.s32 s31, s4;
	s23 =	sadd.s32 $0x1B600, s15;
	s12 =	sadd.s32 s6, s9  }
0xf: {  	s6 =	sadd.s32 $0x18E00, s9;
	s9 =	sor.u32 $0x1C02, s30;
	s21 =	sadd.s32 $0x1C000, s13  }
0x10: {  	s13 =	sshrl.u32 s14, $0x3;
	s14 =	simm.s32 $0x2;
	s15 =	sshrl.u32 s17, $0x3  }
0x11: {  	s17 =	simm.s32 $0x2800;
	s10 =	sadd.s32 $0xEA00, s12;
	s11 =	sadd.s32 $0x4A00, s12  }
0x12: {  	s12 =	smax.u32 s16, $0x1;
	s16 =	simm.s32 $0x9000;
	s21 =	sadd.s32 s22, s21  }
0x13: {  	s22 =	sadd.s32 s24, s23;
	s23 =	simm.s32 $0x20;
	s24 =	simm.s32 $0x10  }
.LBB2_1:
0x14: {  	[spmem:s13], [sflag:s9] =	dma.local [hbm:s6], $0x2800  }
0x15: {  	_ =	swait.ge [sflag:s14], $0x2800  }
0x16: {  	[sflag:s14] =	ssyncset.done $0x0  }
0x17: {  	[sflag:s14] =	ssyncadd.s32 $0xFFFFD800  }
0x18: {  	[spmem:s15], [sflag:s9] =	dma.local [hbm:s7], $0x50  }
0x19: {  	_ =	swait.ge [sflag:s14], $0x50  }
0x1a: {  	[sflag:s14] =	ssyncset.done $0x0  }
0x1b: {  	[sflag:s14] =	ssyncadd.s32 $0xFFFFFFB0  }
0x1c: {  	[tilespmem:s16], [sflag:$0x2] =	stream.linear.gather [hbm4b:s8+s5], $0x80, $0x38;
	[tilespmem:$0x1D300] =	vst v63  }
0x1d: {  	_ =	swait.ge [sflag:s14], $0x80  }
0x1e: {  	[sflag:s14] =	ssyncset.done $0x0  }
0x1f: {  	[sflag:s14] =	ssyncadd.s32 $0xFFFFFF80  }
0x20: {  	[tilespmem:s5], [sflag:$0x2] =	stream.linear.gather [hbm4b:s10+s5], $0x2800, $0x38;
	[tilespmem:$0x1D300] =	vst v63  }
0x21: {  	_ =	swait.ge [sflag:s14], $0x2800  }
0x22: {  	[sflag:s14] =	ssyncset.done $0x0  }
0x23: {  	[sflag:s14] =	ssyncadd.s32 $0xFFFFD800  }
0x24: {  	[tilespmem:s17], [sflag:$0x2] =	stream.linear.gather [hbm4b:s11+s5], $0x2800, $0x38;
	[tilespmem:$0x1D300] =	vst v63  }
0x25: {  	_ =	swait.ge [sflag:s14], $0x2800  }
0x26: {  	[sflag:s14] =	ssyncset.done $0x0  }
0x27: {  	[sflag:s14] =	ssyncadd.s32 $0xFFFFD800  }
0x28: {  	s26 =	simm.s32 $0x0;
	[bflag:$0x0] =	sbarrier.arrive $0xFFFF  }
0x29: {  	[tilespmem:s19], [sflag:$0x1] =	stream.indirect.gather [hbm4b:s1+s18], $0x80, s26, s18, $0xb8;
	[tilespmem:$0x1D300] =	vst v63  }
0x2a: {  	_ =	swait.ge [sflag:s20], $0x4000  }
0x2b: {  	[sflag:s20] =	ssyncset.done $0x0  }
0x2c: {  	s31 =	simm.s32 $0x2800;
	[sflag:s20] =	ssyncadd.s32 $0xFFFFC000  }
0x2d: {  	[spmem:s3] =	stream.indirect.scatter.add.f32 [tilespmem:s19], [sflag:$0x2], $0x80, s31, s18, $0xb8;
	[tilespmem:$0x1D300] =	vst v63  }
0x2e: {  	_ =	swait.ge [sflag:s14], $0x4000  }
0x2f: {  	[sflag:s14] =	ssyncset.done $0x0  }
0x30: {  	[sflag:s14] =	ssyncadd.s32 $0xFFFFC000  }
0x31: {  	[spmem:s4] =	stream.indirect.scatter.add.f32 [tilespmem:s16], [sflag:$0x2], $0x1, s31, s18, $0xb8;
	[tilespmem:$0x1D300] =	vst v63  }
0x32: {  	_ =	swait.ge [sflag:s14], $0x80  }
0x33: {  	s28 =	simm.s32 $0x400;
	s26 =	simm.s32 $0x200;
	[sflag:s14] =	ssyncset.done $0x0  }
.LBB2_2:
0x34: {  	s29 =	sshra.s32 s26, $0x2  }
0x35: {  	[sflag:s14] =	ssyncadd.s32 $0xFFFFFF80;
	s26 =	smov.u32 s28;
	s30 =	sadd.s32 $0x200, s28  }
0x36: {  	[tilespmem:s19], [sflag:$0x1] =	stream.indirect.gather [hbm4b:s1+s18], $0x80, s29, s18, $0xb8;
	[tilespmem:$0x1D300] =	vst v63  }
0x37: {  	p0 =	sne.s32 s28, $0x9E00;
	_ =	swait.ge [sflag:s20], $0x4000  }
0x38: {  	[sflag:s20] =	ssyncset.done $0x0  }
0x39: {  	s28 =	sadd.s32 $0x2800, s29;
	[sflag:s20] =	ssyncadd.s32 $0xFFFFC000  }
0x3a: {  	[spmem:s3] =	stream.indirect.scatter.add.f32 [tilespmem:s19], [sflag:$0x2], $0x80, s28, s18, $0xb8;
	[tilespmem:$0x1D300] =	vst v63  }
0x3b: {  	_ =	swait.ge [sflag:s14], $0x4000  }
.Ltmp0:
0x3c: {  	[sflag:s14] =	ssyncset.done $0x0;
	(pc) =	sbr.rel @p0 .LBB2_2-.Ltmp0, $4  }
0x3d: {  	[sflag:s14] =	ssyncadd.s32 $0xFFFFC000  }
0x3e: {  	[spmem:s4] =	stream.indirect.scatter.add.f32 [tilespmem:s16], [sflag:$0x2], $0x1, s28, s18, $0xb8;
	[tilespmem:$0x1D300] =	vst v63  }
0x3f: {  	_ =	swait.ge [sflag:s14], $0x80  }
0x40: {  	s28 =	smov.u32 s30;
	[sflag:s14] =	ssyncset.done $0x0  }
0x41: {  	s26 =	sshra.s32 s26, $0x2;
	[sflag:s14] =	ssyncadd.s32 $0xFFFFFF80  }
0x42: {  	[tilespmem:s19], [sflag:$0x1] =	stream.indirect.gather [hbm4b:s1+s18], $0x80, s26, s18, $0xb8;
	[tilespmem:$0x1D300] =	vst v63  }
0x43: {  	_ =	swait.ge [sflag:s20], $0x4000  }
0x44: {  	[sflag:s20] =	ssyncset.done $0x0  }
0x45: {  	s26 =	sadd.s32 $0x2800, s26;
	[sflag:s20] =	ssyncadd.s32 $0xFFFFC000  }
0x46: {  	[spmem:s3] =	stream.indirect.scatter.add.f32 [tilespmem:s19], [sflag:$0x2], $0x80, s26, s18, $0xb8;
	[tilespmem:$0x1D300] =	vst v63  }
0x47: {  	_ =	swait.ge [sflag:s14], $0x4000  }
0x48: {  	[sflag:s14] =	ssyncset.done $0x0  }
0x49: {  	[sflag:s14] =	ssyncadd.s32 $0xFFFFC000  }
0x4a: {  	[spmem:s4] =	stream.indirect.scatter.add.f32 [tilespmem:s16], [sflag:$0x2], $0x1, s26, s18, $0xb8;
	[tilespmem:$0x1D300] =	vst v63  }
0x4b: {  	_ =	swait.ge [sflag:s14], $0x80  }
0x4c: {  	[sflag:s14] =	ssyncset.done $0x0  }
0x4d: {  	[sflag:s14] =	ssyncadd.s32 $0xFFFFFF80  }
0x4e: {  	[bflag:$0x0] =	sbarrier.arrive $0xFFFF  }
0x4f: {  	[hbm:s21], [sflag:s9] =	dma.local [spmem:s13], $0x2800  }
0x50: {  	s25 =	sadd.s32 $0x1, s25;
	_ =	swait.ge [sflag:s14], $0x2800  }
0x51: {  	p0 =	sne.s32 s25, s12;
	[sflag:s14] =	ssyncset.done $0x0  }
.Ltmp1:
0x52: {  	[sflag:s14] =	ssyncadd.s32 $0xFFFFD800;
	(pc) =	sbr.rel @p0 .LBB2_1-.Ltmp1, $4  }
0x53: {  	[hbm:s22@s23], [sflag:s9] =	dma.strided [spmem:s15@s24], $0x50, s20, $0x10   }
0x54: {  	_ =	swait.ge [sflag:s14], $0x50  }
0x55: {  	[sflag:s14] =	ssyncset.done $0x0  }
0x56: {  	[sflag:s14] =	ssyncadd.s32 $0xFFFFFFB0  }
0x57: {  	_ =	sfence.sel $0x180000  }
0x58: {  	[bflag:$0x0] =	sbarrier.arrive $0xFFFF  }
0x59: {  	p0 =	sne.s32 s0, $0x0;
	_ =	strace $0x9000004D  }
0x5a: {  	s0 =	sadd.s32 @!p0 $0x100000, s2;
	[bflag:$0x2] =	sbarrier.arrive $0xFFFF  }
0x5b: {  	[sflag:s0] =	ssyncadd.tile.s32 @!p0 $0x1;
	_ =	shalt  }
.Lfunc_end2:
_tile_overlayer_lowered:
.L_overlay_start_2:
0x5c: {  	(tag) =	ssettag $0x2  }
0x5d: {  	s0 =	rddreg [dreg:$0x0];
	s2 =	stileid.u32  }
0x5e: {  	s1 =	rddreg [dreg:$0x1];
	p0 =	sne.s32 s2, $0x0  }
0x5f: {  	s3 =	rddreg [dreg:$0x2];
	[bflag:$0x3] =	sbarrier.arrive $0xFFFF;
	s2 =	simm.s32 @!p0 $0x1C02  }
0x60: {  	[timem:s3], [sflag:s2] =	dma.local @!p0 [hbm:s0], s1  }
0x61: {  	s0 =	simm.s32 @!p0 $0x2  }
0x62: {  	_ =	swait.ge @!p0 [sflag:s0], s1  }
0x63: {  	s1 =	ssub.s32 @!p0 $0x0, s1;
	[sflag:s0] =	ssyncset.done @!p0 $0x0  }
0x64: {  	[sflag:s0] =	ssyncadd.s32 @!p0 s1  }
0x65: {  	[bflag:$0x3] =	sbarrier.arrive $0xFFFF  }
0x66: {  	_ =	shalt  }

</sc_bundles>
